<compile_context>
chip_gen: v7x
topology: tpu7x:2x2x1
jax: 0.10.2.dev20260603
libtpu: 0.0.44.dev20260713+nightly
codegen_flags: <defaults>
</compile_context>

<pallas_src>
import jax
import jax.numpy as jnp
from jax import lax
from jax.experimental import pallas as pl
from jax.experimental.pallas import tpu as pltpu
from jax.experimental.pallas import tpu_sc as plsc

_B = 4096
_L = 200
_H = 64
_NOUT = 100
_NC = 2
_NS = 16
_NW = _NC * _NS
_BPW = _B // _NW
_C1 = 128
_C2 = _L - _C1


def _embbag_body(text_hbm, table_hbm, out_hbm, idx_v, buf0, buf1, out_v,
                 sem0, sem1):
    c = lax.axis_index("c")
    s = lax.axis_index("s")
    wid = s * _NC + c
    base = wid * _BPW
    pltpu.sync_copy(text_hbm.at[pl.ds(base * _L, _BPW * _L)], idx_v)

    bufs = (buf0, buf1)
    sems = (sem0, sem1)

    def issue(i, slot):
        off = pl.multiple_of(i * _L, 8)
        pltpu.async_copy(table_hbm.at[idx_v.at[pl.ds(off, _C1)]],
                         bufs[slot].at[pl.ds(0, _C1)], sems[slot])
        pltpu.async_copy(table_hbm.at[idx_v.at[pl.ds(off + _C1, _C2)]],
                         bufs[slot].at[pl.ds(_C1, _C2)], sems[slot])

    def drain(slot):
        pltpu.make_async_copy(table_hbm.at[idx_v.at[pl.ds(0, _C1)]],
                              bufs[slot].at[pl.ds(0, _C1)], sems[slot]).wait()
        pltpu.make_async_copy(table_hbm.at[idx_v.at[pl.ds(0, _C2)]],
                              bufs[slot].at[pl.ds(_C1, _C2)], sems[slot]).wait()

    issue(0, 0)

    @pl.loop(0, _BPW, step=2)
    def _bag_pair(i):
        for b in range(2):
            ib = i + b
            buf = bufs[b]

            @pl.when(ib + 1 < _BPW)
            def _():
                issue(ib + 1, 1 - b)

            drain(b)

            def red(r, acc):
                a = list(acc)
                for u in range(8):
                    j = r * 8 + u
                    for k in range(4):
                        a[k] = a[k] + buf[j, pl.ds(k * 16, 16)]
                return tuple(a)

            acc = tuple(jnp.zeros((16,), jnp.float32) for _ in range(4))
            acc = lax.fori_loop(0, _L // 8, red, acc)
            for k in range(4):
                out_v[ib, pl.ds(k * 16, 16)] = acc[k]

    pltpu.sync_copy(out_v, out_hbm.at[pl.ds(base, _BPW)])


def _embbag_sums(text_flat, emb_weight):
    mesh = plsc.VectorSubcoreMesh(core_axis_name="c", subcore_axis_name="s",
                                  num_cores=_NC, num_subcores=_NS)
    f = pl.kernel(
        _embbag_body,
        out_type=jax.ShapeDtypeStruct((_B, _H), jnp.float32),
        mesh=mesh,
        name="embbag_sums",
        scratch_types=[
            pltpu.VMEM((_BPW * _L,), jnp.int32),
            pltpu.VMEM((_L, _H), jnp.float32),
            pltpu.VMEM((_L, _H), jnp.float32),
            pltpu.VMEM((_BPW, _H), jnp.float32),
            pltpu.SemaphoreType.DMA,
            pltpu.SemaphoreType.DMA,
        ],
        compiler_params=pltpu.CompilerParams(use_tc_tiling_on_sc=False),
    )
    return f(text_flat, emb_weight)


def _linear_body(x_ref, w_ref, b_ref, o_ref):
    o_ref[...] = (
        lax.dot_general(x_ref[...], w_ref[...], (((1,), (1,)), ((), ())),
                        preferred_element_type=jnp.float32) * (1.0 / _L)
        + b_ref[...]
    )


def kernel(text, emb_weight, fc1_weight, fc1_bias):
    sums = _embbag_sums(text.reshape(-1), emb_weight)
    out = pl.pallas_call(
        _linear_body,
        out_shape=jax.ShapeDtypeStruct((_B, _NOUT), jnp.float32),
    )(sums, fc1_weight, fc1_bias.reshape(1, _NOUT))
    return out

# --- scband reference (transcript-rebuilt; emitter-appended) ---
"""Pipeline reference for scband-embedding-detector-65609920413825 (READ-ONLY COPY).

The authoritative reference and input builder live on the scoring server;
editing this copy changes nothing except your own understanding.
"""

import jax, jax.numpy as jnp
import numpy as np

VOCAB = 1000000
HID = 64
NLANG = 100
B = 4096
L = 200


def setup_inputs(seed: int = 0) -> dict:
    key = jax.random.key(seed)
    k1, k2, k3 = jax.random.split(key, 3)
    text = jax.random.randint(k1, (B, L), 0, VOCAB, dtype=jnp.int32)
    initrange = 0.6
    emb_weight = jax.random.uniform(k2, (VOCAB, HID), dtype=jnp.float32, minval=-initrange, maxval=initrange)
    fc1_weight = jax.random.uniform(k3, (NLANG, HID), dtype=jnp.float32, minval=-initrange, maxval=initrange)
    fc1_bias = jnp.zeros((NLANG,), dtype=jnp.float32)
    return {"text": text, "emb_weight": emb_weight, "fc1_weight": fc1_weight, "fc1_bias": fc1_bias}


def reference(text, emb_weight, fc1_weight, fc1_bias):
    # nn.EmbeddingBag with 2D input and offsets=None: mean over each row (bag)
    gathered = jnp.take(emb_weight, text, axis=0)          # [B, L, HID]
    embedded = jnp.mean(gathered, axis=1)                  # [B, HID] (default mode='mean')
    embedded = embedded.reshape(embedded.shape[0], -1)     # view(B, -1)
    out = embedded @ fc1_weight.T + fc1_bias               # [B, NLANG]
    # note: self.sigmoid is defined but never applied in forward
    return out

if __name__ == "__main__":
    import jax
    _d = setup_inputs()
    print(jax.jit(kernel)(*tuple(_d.values())))

</pallas_src>

<mosaic_0001>
#map = affine_map<(d0, d1) -> (0)>
#map1 = affine_map<(d0, d1) -> (0, 0)>
module attributes {stable_mosaic.version = 14 : i64} {
  func.func @embbag_sums(%arg0: i32, %arg1: i32, %arg2: memref<819200xi32, #tpu.memory_space<hbm>>, %arg3: memref<1000000x64xf32, #tpu.memory_space<hbm>>, %arg4: memref<4096x64xf32, #tpu.memory_space<hbm>>, %arg5: memref<25600xi32, #tpu.memory_space<vmem>>, %arg6: memref<200x64xf32, #tpu.memory_space<vmem>>, %arg7: memref<200x64xf32, #tpu.memory_space<vmem>>, %arg8: memref<128x64xf32, #tpu.memory_space<vmem>>, %arg9: memref<!tpu.dma_semaphore, #tpu.memory_space<semaphore_mem>>, %arg10: memref<!tpu.dma_semaphore, #tpu.memory_space<semaphore_mem>>) attributes {dimension_semantics = [#tpu.dimension_semantics<core_parallel>, #tpu.dimension_semantics<subcore_parallel>], iteration_bounds = array<i64: 2, 16>, scalar_prefetch = 0 : i64, scratch_operands = 6 : i64, tpu.core_type = #tpu.core_type<sc_vector_subcore>, window_params = [{transform_indices = #map}, {transform_indices = #map1}, {transform_indices = #map1}]} {
    %mul3A = arith.constant 2 : i32
    %mul3A_0 = arith.muli %arg1, %mul3A : i32
    %add3A = arith.addi %mul3A_0, %arg0 : i32
    %mul3A_1 = arith.constant 128 : i32
    %mul3A_2 = arith.muli %add3A, %mul3A_1 : i32
    %mul3A_3 = arith.constant 200 : i32
    %mul3A_4 = arith.muli %mul3A_2, %mul3A_3 : i32
    "tpu.region"() ({
      %run_scoped3A = tpu.sem_alloc : memref<!tpu.dma_semaphore, #tpu.memory_space<semaphore_mem>>
      %dma_start3A_25 = tpu.memref_slice %arg2[%mul3A_4] : memref<819200xi32, #tpu.memory_space<hbm>> -> memref<25600xi32, #tpu.memory_space<hbm>>
      %dma_start3A_26 = tpu.memref_slice %arg2[%mul3A_4] : memref<819200xi32, #tpu.memory_space<hbm>> -> memref<25600xi32, #tpu.memory_space<hbm>>
      tpu.enqueue_dma source(%dma_start3A_26 : memref<25600xi32, #tpu.memory_space<hbm>>) target(%arg5 : memref<25600xi32, #tpu.memory_space<vmem>>) target_semaphore(%run_scoped3A : memref<!tpu.dma_semaphore, #tpu.memory_space<semaphore_mem>>)
      %dma_wait3A = tpu.memref_slice %arg2[%mul3A_4] : memref<819200xi32, #tpu.memory_space<hbm>> -> memref<25600xi32, #tpu.memory_space<hbm>>
      %dma_wait3A_27 = tpu.memref_slice %arg2[%mul3A_4] : memref<819200xi32, #tpu.memory_space<hbm>> -> memref<25600xi32, #tpu.memory_space<hbm>>
      tpu.wait_dma2 semaphore(%run_scoped3A : memref<!tpu.dma_semaphore, #tpu.memory_space<semaphore_mem>>) src(%dma_wait3A_27 : memref<25600xi32, #tpu.memory_space<hbm>>) dst(%arg5 : memref<25600xi32, #tpu.memory_space<vmem>>)
      tpu.yield
    }) : () -> ()
    %multiple_of3A = arith.constant 0 : i32
    %multiple_of3A_5 = tpu.assume_multiple %multiple_of3A, 8 : i32
    %dma_start3A = arith.constant 0 : i32
    %dma_start3A_6 = arith.constant 0 : i32
    %dma_start3A_7 = tpu.memref_slice %arg6[%dma_start3A, %dma_start3A_6] : memref<200x64xf32, #tpu.memory_space<vmem>> -> memref<128x64xf32, #tpu.memory_space<vmem>>
    %dma_start3A_8 = tpu.memref_slice %arg5[%multiple_of3A_5] : memref<25600xi32, #tpu.memory_space<vmem>> -> memref<128xi32, #tpu.memory_space<vmem>>
    %dma_start3A_9 = arith.constant 0 : i32
    %dma_start3A_10 = arith.constant 0 : i32
    %dma_start3A_11 = tpu.memref_slice %arg3[%dma_start3A_9, %dma_start3A_10] : memref<1000000x64xf32, #tpu.memory_space<hbm>> -> memref<1000000x64xf32, #tpu.memory_space<hbm>>
    tpu.enqueue_indirect_dma source(%dma_start3A_11 : memref<1000000x64xf32, #tpu.memory_space<hbm>>) target(%dma_start3A_7 : memref<128x64xf32, #tpu.memory_space<vmem>>) offsets(%dma_start3A_8 : memref<128xi32, #tpu.memory_space<vmem>>) semaphore(%arg9 : memref<!tpu.dma_semaphore, #tpu.memory_space<semaphore_mem>>)
    %add3A_12 = arith.constant 128 : i32
    %add3A_13 = arith.addi %multiple_of3A_5, %add3A_12 : i32
    %dma_start3A_14 = arith.constant 128 : i32
    %dma_start3A_15 = arith.constant 0 : i32
    %dma_start3A_16 = tpu.memref_slice %arg6[%dma_start3A_14, %dma_start3A_15] : memref<200x64xf32, #tpu.memory_space<vmem>> -> memref<72x64xf32, #tpu.memory_space<vmem>>
    %dma_start3A_17 = tpu.memref_slice %arg5[%add3A_13] : memref<25600xi32, #tpu.memory_space<vmem>> -> memref<72xi32, #tpu.memory_space<vmem>>
    %dma_start3A_18 = arith.constant 0 : i32
    %dma_start3A_19 = arith.constant 0 : i32
    %dma_start3A_20 = tpu.memref_slice %arg3[%dma_start3A_18, %dma_start3A_19] : memref<1000000x64xf32, #tpu.memory_space<hbm>> -> memref<1000000x64xf32, #tpu.memory_space<hbm>>
    tpu.enqueue_indirect_dma source(%dma_start3A_20 : memref<1000000x64xf32, #tpu.memory_space<hbm>>) target(%dma_start3A_16 : memref<72x64xf32, #tpu.memory_space<vmem>>) offsets(%dma_start3A_17 : memref<72xi32, #tpu.memory_space<vmem>>) semaphore(%arg9 : memref<!tpu.dma_semaphore, #tpu.memory_space<semaphore_mem>>)
    %scan3A = arith.constant 0 : i32
    %scan3A_21 = arith.constant 64 : i32
    %scan3A_22 = arith.addi %scan3A, %scan3A_21 : i32
    %scan3A_23 = arith.constant 1 : i32
    scf.for %scan3A_25 = %scan3A to %scan3A_22 step %scan3A_23  : i32 {
      %mul3A_26 = arith.constant 2 : i32
      %mul3A_27 = arith.muli %scan3A_25, %mul3A_26 : i32
      %add3A_28 = arith.constant 0 : i32
      %add3A_29 = arith.addi %add3A_28, %mul3A_27 : i32
      %add3A_30 = arith.constant 0 : i32
      %add3A_31 = arith.addi %add3A_29, %add3A_30 : i32
      %add3A_32 = arith.constant 1 : i32
      %add3A_33 = arith.addi %add3A_31, %add3A_32 : i32
      %lt3A = arith.constant 128 : i32
      %lt3A_34 = arith.cmpi slt, %add3A_33, %lt3A : i32
      %convert_element_type3A = arith.extui %lt3A_34 : i1 to i32
      %cond3A = arith.constant 0 : i32
      %cond3A_35 = arith.cmpi ne, %convert_element_type3A, %cond3A : i32
      scf.if %cond3A_35 {
        %add3A_142 = arith.constant 1 : i32
        %add3A_143 = arith.addi %add3A_31, %add3A_142 : i32
        %mul3A_144 = arith.constant 200 : i32
        %mul3A_145 = arith.muli %add3A_143, %mul3A_144 : i32
        %multiple_of3A_146 = tpu.assume_multiple %mul3A_145, 8 : i32
        %dma_start3A_147 = arith.constant 0 : i32
        %dma_start3A_148 = arith.constant 0 : i32
        %dma_start3A_149 = tpu.memref_slice %arg7[%dma_start3A_147, %dma_start3A_148] : memref<200x64xf32, #tpu.memory_space<vmem>> -> memref<128x64xf32, #tpu.memory_space<vmem>>
        %dma_start3A_150 = tpu.memref_slice %arg5[%multiple_of3A_146] : memref<25600xi32, #tpu.memory_space<vmem>> -> memref<128xi32, #tpu.memory_space<vmem>>
        %dma_start3A_151 = arith.constant 0 : i32
        %dma_start3A_152 = arith.constant 0 : i32
        %dma_start3A_153 = tpu.memref_slice %arg3[%dma_start3A_151, %dma_start3A_152] : memref<1000000x64xf32, #tpu.memory_space<hbm>> -> memref<1000000x64xf32, #tpu.memory_space<hbm>>
        tpu.enqueue_indirect_dma source(%dma_start3A_153 : memref<1000000x64xf32, #tpu.memory_space<hbm>>) target(%dma_start3A_149 : memref<128x64xf32, #tpu.memory_space<vmem>>) offsets(%dma_start3A_150 : memref<128xi32, #tpu.memory_space<vmem>>) semaphore(%arg10 : memref<!tpu.dma_semaphore, #tpu.memory_space<semaphore_mem>>)
        %add3A_154 = arith.constant 128 : i32
        %add3A_155 = arith.addi %multiple_of3A_146, %add3A_154 : i32
        %dma_start3A_156 = arith.constant 128 : i32
        %dma_start3A_157 = arith.constant 0 : i32
        %dma_start3A_158 = tpu.memref_slice %arg7[%dma_start3A_156, %dma_start3A_157] : memref<200x64xf32, #tpu.memory_space<vmem>> -> memref<72x64xf32, #tpu.memory_space<vmem>>
        %dma_start3A_159 = tpu.memref_slice %arg5[%add3A_155] : memref<25600xi32, #tpu.memory_space<vmem>> -> memref<72xi32, #tpu.memory_space<vmem>>
        %dma_start3A_160 = arith.constant 0 : i32
        %dma_start3A_161 = arith.constant 0 : i32
        %dma_start3A_162 = tpu.memref_slice %arg3[%dma_start3A_160, %dma_start3A_161] : memref<1000000x64xf32, #tpu.memory_space<hbm>> -> memref<1000000x64xf32, #tpu.memory_space<hbm>>
        tpu.enqueue_indirect_dma source(%dma_start3A_162 : memref<1000000x64xf32, #tpu.memory_space<hbm>>) target(%dma_start3A_158 : memref<72x64xf32, #tpu.memory_space<vmem>>) offsets(%dma_start3A_159 : memref<72xi32, #tpu.memory_space<vmem>>) semaphore(%arg10 : memref<!tpu.dma_semaphore, #tpu.memory_space<semaphore_mem>>)
      } else {
      }
      %dma_wait3A = arith.constant 0 : i32
      %dma_wait3A_36 = arith.constant 0 : i32
      %dma_wait3A_37 = tpu.memref_slice %arg6[%dma_wait3A, %dma_wait3A_36] : memref<200x64xf32, #tpu.memory_space<vmem>> -> memref<128x64xf32, #tpu.memory_space<vmem>>
      %dma_wait3A_38 = arith.constant 0 : i32
      %dma_wait3A_39 = tpu.memref_slice %arg5[%dma_wait3A_38] : memref<25600xi32, #tpu.memory_space<vmem>> -> memref<128xi32, #tpu.memory_space<vmem>>
      %dma_wait3A_40 = arith.constant 0 : i32
      %dma_wait3A_41 = arith.constant 0 : i32
      %dma_wait3A_42 = tpu.memref_slice %arg3[%dma_wait3A_40, %dma_wait3A_41] : memref<1000000x64xf32, #tpu.memory_space<hbm>> -> memref<1000000x64xf32, #tpu.memory_space<hbm>>
      tpu.wait_indirect_dma semaphore(%arg9 : memref<!tpu.dma_semaphore, #tpu.memory_space<semaphore_mem>>) src(%dma_wait3A_42 : memref<1000000x64xf32, #tpu.memory_space<hbm>>) dst(%dma_wait3A_37 : memref<128x64xf32, #tpu.memory_space<vmem>>)
      %dma_wait3A_43 = arith.constant 128 : i32
      %dma_wait3A_44 = arith.constant 0 : i32
      %dma_wait3A_45 = tpu.memref_slice %arg6[%dma_wait3A_43, %dma_wait3A_44] : memref<200x64xf32, #tpu.memory_space<vmem>> -> memref<72x64xf32, #tpu.memory_space<vmem>>
      %dma_wait3A_46 = arith.constant 0 : i32
      %dma_wait3A_47 = tpu.memref_slice %arg5[%dma_wait3A_46] : memref<25600xi32, #tpu.memory_space<vmem>> -> memref<72xi32, #tpu.memory_space<vmem>>
      %dma_wait3A_48 = arith.constant 0 : i32
      %dma_wait3A_49 = arith.constant 0 : i32
      %dma_wait3A_50 = tpu.memref_slice %arg3[%dma_wait3A_48, %dma_wait3A_49] : memref<1000000x64xf32, #tpu.memory_space<hbm>> -> memref<1000000x64xf32, #tpu.memory_space<hbm>>
      tpu.wait_indirect_dma semaphore(%arg9 : memref<!tpu.dma_semaphore, #tpu.memory_space<semaphore_mem>>) src(%dma_wait3A_50 : memref<1000000x64xf32, #tpu.memory_space<hbm>>) dst(%dma_wait3A_45 : memref<72x64xf32, #tpu.memory_space<vmem>>)
      %broadcast_in_dim3A = arith.constant 0.000000e+00 : f32
      %broadcast_in_dim3A_51 = vector.broadcast %broadcast_in_dim3A : f32 to vector<16xf32>
      %broadcast_in_dim3A_52 = arith.constant 0.000000e+00 : f32
      %broadcast_in_dim3A_53 = vector.broadcast %broadcast_in_dim3A_52 : f32 to vector<16xf32>
      %broadcast_in_dim3A_54 = arith.constant 0.000000e+00 : f32
      %broadcast_in_dim3A_55 = vector.broadcast %broadcast_in_dim3A_54 : f32 to vector<16xf32>
      %broadcast_in_dim3A_56 = arith.constant 0.000000e+00 : f32
      %broadcast_in_dim3A_57 = vector.broadcast %broadcast_in_dim3A_56 : f32 to vector<16xf32>
      %scan3A_58 = arith.constant 0 : i32
      %scan3A_59 = arith.constant 25 : i32
      %scan3A_60 = arith.addi %scan3A_58, %scan3A_59 : i32
      %scan3A_61 = arith.constant 1 : i32
      %scan3A_62:4 = scf.for %scan3A_142 = %scan3A_58 to %scan3A_60 step %scan3A_61 iter_args(%scan3A_143 = %broadcast_in_dim3A_51, %scan3A_144 = %broadcast_in_dim3A_53, %scan3A_145 = %broadcast_in_dim3A_55, %scan3A_146 = %broadcast_in_dim3A_57) -> (vector<16xf32>, vector<16xf32>, vector<16xf32>, vector<16xf32>)  : i32 {
        %mul3A_147 = arith.constant 8 : i32
        %mul3A_148 = arith.muli %scan3A_142, %mul3A_147 : i32
        %add3A_149 = arith.constant 0 : i32
        %add3A_150 = arith.addi %mul3A_148, %add3A_149 : i32
        %get3A = arith.index_cast %add3A_150 : i32 to index
        %get3A_151 = arith.constant 0 : index
        %get3A_152 = tpu.vector_load %arg6[%get3A, %get3A_151] {strides = array<i32>} : memref<200x64xf32, #tpu.memory_space<vmem>>, vector<1x16xf32>,
        %get3A_153 = vector.shape_cast %get3A_152 : vector<1x16xf32> to vector<16xf32>
        %add3A_154 = arith.addf %scan3A_143, %get3A_153 : vector<16xf32>
        %get3A_155 = arith.index_cast %add3A_150 : i32 to index
        %get3A_156 = arith.constant 16 : index
        %get3A_157 = tpu.vector_load %arg6[%get3A_155, %get3A_156] {strides = array<i32>} : memref<200x64xf32, #tpu.memory_space<vmem>>, vector<1x16xf32>,
        %get3A_158 = vector.shape_cast %get3A_157 : vector<1x16xf32> to vector<16xf32>
        %add3A_159 = arith.addf %scan3A_144, %get3A_158 : vector<16xf32>
        %get3A_160 = arith.index_cast %add3A_150 : i32 to index
        %get3A_161 = arith.constant 32 : index
        %get3A_162 = tpu.vector_load %arg6[%get3A_160, %get3A_161] {strides = array<i32>} : memref<200x64xf32, #tpu.memory_space<vmem>>, vector<1x16xf32>,
        %get3A_163 = vector.shape_cast %get3A_162 : vector<1x16xf32> to vector<16xf32>
        %add3A_164 = arith.addf %scan3A_145, %get3A_163 : vector<16xf32>
        %get3A_165 = arith.index_cast %add3A_150 : i32 to index
        %get3A_166 = arith.constant 48 : index
        %get3A_167 = tpu.vector_load %arg6[%get3A_165, %get3A_166] {strides = array<i32>} : memref<200x64xf32, #tpu.memory_space<vmem>>, vector<1x16xf32>,
        %get3A_168 = vector.shape_cast %get3A_167 : vector<1x16xf32> to vector<16xf32>
        %add3A_169 = arith.addf %scan3A_146, %get3A_168 : vector<16xf32>
        %mul3A_170 = arith.constant 8 : i32
        %mul3A_171 = arith.muli %scan3A_142, %mul3A_170 : i32
        %add3A_172 = arith.constant 1 : i32
        %add3A_173 = arith.addi %mul3A_171, %add3A_172 : i32
        %get3A_174 = arith.index_cast %add3A_173 : i32 to index
        %get3A_175 = arith.constant 0 : index
        %get3A_176 = tpu.vector_load %arg6[%get3A_174, %get3A_175] {strides = array<i32>} : memref<200x64xf32, #tpu.memory_space<vmem>>, vector<1x16xf32>,
        %get3A_177 = vector.shape_cast %get3A_176 : vector<1x16xf32> to vector<16xf32>
        %add3A_178 = arith.addf %add3A_154, %get3A_177 : vector<16xf32>
        %get3A_179 = arith.index_cast %add3A_173 : i32 to index
        %get3A_180 = arith.constant 16 : index
        %get3A_181 = tpu.vector_load %arg6[%get3A_179, %get3A_180] {strides = array<i32>} : memref<200x64xf32, #tpu.memory_space<vmem>>, vector<1x16xf32>,
        %get3A_182 = vector.shape_cast %get3A_181 : vector<1x16xf32> to vector<16xf32>
        %add3A_183 = arith.addf %add3A_159, %get3A_182 : vector<16xf32>
        %get3A_184 = arith.index_cast %add3A_173 : i32 to index
        %get3A_185 = arith.constant 32 : index
        %get3A_186 = tpu.vector_load %arg6[%get3A_184, %get3A_185] {strides = array<i32>} : memref<200x64xf32, #tpu.memory_space<vmem>>, vector<1x16xf32>,
        %get3A_187 = vector.shape_cast %get3A_186 : vector<1x16xf32> to vector<16xf32>
        %add3A_188 = arith.addf %add3A_164, %get3A_187 : vector<16xf32>
        %get3A_189 = arith.index_cast %add3A_173 : i32 to index
        %get3A_190 = arith.constant 48 : index
        %get3A_191 = tpu.vector_load %arg6[%get3A_189, %get3A_190] {strides = array<i32>} : memref<200x64xf32, #tpu.memory_space<vmem>>, vector<1x16xf32>,
        %get3A_192 = vector.shape_cast %get3A_191 : vector<1x16xf32> to vector<16xf32>
        %add3A_193 = arith.addf %add3A_169, %get3A_192 : vector<16xf32>
        %mul3A_194 = arith.constant 8 : i32
        %mul3A_195 = arith.muli %scan3A_142, %mul3A_194 : i32
        %add3A_196 = arith.constant 2 : i32
        %add3A_197 = arith.addi %mul3A_195, %add3A_196 : i32
        %get3A_198 = arith.index_cast %add3A_197 : i32 to index
        %get3A_199 = arith.constant 0 : index
        %get3A_200 = tpu.vector_load %arg6[%get3A_198, %get3A_199] {strides = array<i32>} : memref<200x64xf32, #tpu.memory_space<vmem>>, vector<1x16xf32>,
        %get3A_201 = vector.shape_cast %get3A_200 : vector<1x16xf32> to vector<16xf32>
        %add3A_202 = arith.addf %add3A_178, %get3A_201 : vector<16xf32>
        %get3A_203 = arith.index_cast %add3A_197 : i32 to index
        %get3A_204 = arith.constant 16 : index
        %get3A_205 = tpu.vector_load %arg6[%get3A_203, %get3A_204] {strides = array<i32>} : memref<200x64xf32, #tpu.memory_space<vmem>>, vector<1x16xf32>,
        %get3A_206 = vector.shape_cast %get3A_205 : vector<1x16xf32> to vector<16xf32>
        %add3A_207 = arith.addf %add3A_183, %get3A_206 : vector<16xf32>
        %get3A_208 = arith.index_cast %add3A_197 : i32 to index
        %get3A_209 = arith.constant 32 : index
        %get3A_210 = tpu.vector_load %arg6[%get3A_208, %get3A_209] {strides = array<i32>} : memref<200x64xf32, #tpu.memory_space<vmem>>, vector<1x16xf32>,
        %get3A_211 = vector.shape_cast %get3A_210 : vector<1x16xf32> to vector<16xf32>
        %add3A_212 = arith.addf %add3A_188, %get3A_211 : vector<16xf32>
        %get3A_213 = arith.index_cast %add3A_197 : i32 to index
        %get3A_214 = arith.constant 48 : index
        %get3A_215 = tpu.vector_load %arg6[%get3A_213, %get3A_214] {strides = array<i32>} : memref<200x64xf32, #tpu.memory_space<vmem>>, vector<1x16xf32>,
        %get3A_216 = vector.shape_cast %get3A_215 : vector<1x16xf32> to vector<16xf32>
        %add3A_217 = arith.addf %add3A_193, %get3A_216 : vector<16xf32>
        %mul3A_218 = arith.constant 8 : i32
        %mul3A_219 = arith.muli %scan3A_142, %mul3A_218 : i32
        %add3A_220 = arith.constant 3 : i32
        %add3A_221 = arith.addi %mul3A_219, %add3A_220 : i32
        %get3A_222 = arith.index_cast %add3A_221 : i32 to index
        %get3A_223 = arith.constant 0 : index
        %get3A_224 = tpu.vector_load %arg6[%get3A_222, %get3A_223] {strides = array<i32>} : memref<200x64xf32, #tpu.memory_space<vmem>>, vector<1x16xf32>,
        %get3A_225 = vector.shape_cast %get3A_224 : vector<1x16xf32> to vector<16xf32>
        %add3A_226 = arith.addf %add3A_202, %get3A_225 : vector<16xf32>
        %get3A_227 = arith.index_cast %add3A_221 : i32 to index
        %get3A_228 = arith.constant 16 : index
        %get3A_229 = tpu.vector_load %arg6[%get3A_227, %get3A_228] {strides = array<i32>} : memref<200x64xf32, #tpu.memory_space<vmem>>, vector<1x16xf32>,
        %get3A_230 = vector.shape_cast %get3A_229 : vector<1x16xf32> to vector<16xf32>
        %add3A_231 = arith.addf %add3A_207, %get3A_230 : vector<16xf32>
        %get3A_232 = arith.index_cast %add3A_221 : i32 to index
        %get3A_233 = arith.constant 32 : index
        %get3A_234 = tpu.vector_load %arg6[%get3A_232, %get3A_233] {strides = array<i32>} : memref<200x64xf32, #tpu.memory_space<vmem>>, vector<1x16xf32>,
        %get3A_235 = vector.shape_cast %get3A_234 : vector<1x16xf32> to vector<16xf32>
        %add3A_236 = arith.addf %add3A_212, %get3A_235 : vector<16xf32>
        %get3A_237 = arith.index_cast %add3A_221 : i32 to index
        %get3A_238 = arith.constant 48 : index
        %get3A_239 = tpu.vector_load %arg6[%get3A_237, %get3A_238] {strides = array<i32>} : memref<200x64xf32, #tpu.memory_space<vmem>>, vector<1x16xf32>,
        %get3A_240 = vector.shape_cast %get3A_239 : vector<1x16xf32> to vector<16xf32>
        %add3A_241 = arith.addf %add3A_217, %get3A_240 : vector<16xf32>
        %mul3A_242 = arith.constant 8 : i32
        %mul3A_243 = arith.muli %scan3A_142, %mul3A_242 : i32
        %add3A_244 = arith.constant 4 : i32
        %add3A_245 = arith.addi %mul3A_243, %add3A_244 : i32
        %get3A_246 = arith.index_cast %add3A_245 : i32 to index
        %get3A_247 = arith.constant 0 : index
        %get3A_248 = tpu.vector_load %arg6[%get3A_246, %get3A_247] {strides = array<i32>} : memref<200x64xf32, #tpu.memory_space<vmem>>, vector<1x16xf32>,
        %get3A_249 = vector.shape_cast %get3A_248 : vector<1x16xf32> to vector<16xf32>
        %add3A_250 = arith.addf %add3A_226, %get3A_249 : vector<16xf32>
        %get3A_251 = arith.index_cast %add3A_245 : i32 to index
        %get3A_252 = arith.constant 16 : index
        %get3A_253 = tpu.vector_load %arg6[%get3A_251, %get3A_252] {strides = array<i32>} : memref<200x64xf32, #tpu.memory_space<vmem>>, vector<1x16xf32>,
        %get3A_254 = vector.shape_cast %get3A_253 : vector<1x16xf32> to vector<16xf32>
        %add3A_255 = arith.addf %add3A_231, %get3A_254 : vector<16xf32>
        %get3A_256 = arith.index_cast %add3A_245 : i32 to index
        %get3A_257 = arith.constant 32 : index
        %get3A_258 = tpu.vector_load %arg6[%get3A_256, %get3A_257] {strides = array<i32>} : memref<200x64xf32, #tpu.memory_space<vmem>>, vector<1x16xf32>,
        %get3A_259 = vector.shape_cast %get3A_258 : vector<1x16xf32> to vector<16xf32>
        %add3A_260 = arith.addf %add3A_236, %get3A_259 : vector<16xf32>
        %get3A_261 = arith.index_cast %add3A_245 : i32 to index
        %get3A_262 = arith.constant 48 : index
        %get3A_263 = tpu.vector_load %arg6[%get3A_261, %get3A_262] {strides = array<i32>} : memref<200x64xf32, #tpu.memory_space<vmem>>, vector<1x16xf32>,
        %get3A_264 = vector.shape_cast %get3A_263 : vector<1x16xf32> to vector<16xf32>
        %add3A_265 = arith.addf %add3A_241, %get3A_264 : vector<16xf32>
        %mul3A_266 = arith.constant 8 : i32
        %mul3A_267 = arith.muli %scan3A_142, %mul3A_266 : i32
        %add3A_268 = arith.constant 5 : i32
        %add3A_269 = arith.addi %mul3A_267, %add3A_268 : i32
        %get3A_270 = arith.index_cast %add3A_269 : i32 to index
        %get3A_271 = arith.constant 0 : index
        %get3A_272 = tpu.vector_load %arg6[%get3A_270, %get3A_271] {strides = array<i32>} : memref<200x64xf32, #tpu.memory_space<vmem>>, vector<1x16xf32>,
        %get3A_273 = vector.shape_cast %get3A_272 : vector<1x16xf32> to vector<16xf32>
        %add3A_274 = arith.addf %add3A_250, %get3A_273 : vector<16xf32>
        %get3A_275 = arith.index_cast %add3A_269 : i32 to index
        %get3A_276 = arith.constant 16 : index
        %get3A_277 = tpu.vector_load %arg6[%get3A_275, %get3A_276] {strides = array<i32>} : memref<200x64xf32, #tpu.memory_space<vmem>>, vector<1x16xf32>,
        %get3A_278 = vector.shape_cast %get3A_277 : vector<1x16xf32> to vector<16xf32>
        %add3A_279 = arith.addf %add3A_255, %get3A_278 : vector<16xf32>
        %get3A_280 = arith.index_cast %add3A_269 : i32 to index
        %get3A_281 = arith.constant 32 : index
        %get3A_282 = tpu.vector_load %arg6[%get3A_280, %get3A_281] {strides = array<i32>} : memref<200x64xf32, #tpu.memory_space<vmem>>, vector<1x16xf32>,
        %get3A_283 = vector.shape_cast %get3A_282 : vector<1x16xf32> to vector<16xf32>
        %add3A_284 = arith.addf %add3A_260, %get3A_283 : vector<16xf32>
        %get3A_285 = arith.index_cast %add3A_269 : i32 to index
        %get3A_286 = arith.constant 48 : index
        %get3A_287 = tpu.vector_load %arg6[%get3A_285, %get3A_286] {strides = array<i32>} : memref<200x64xf32, #tpu.memory_space<vmem>>, vector<1x16xf32>,
        %get3A_288 = vector.shape_cast %get3A_287 : vector<1x16xf32> to vector<16xf32>
        %add3A_289 = arith.addf %add3A_265, %get3A_288 : vector<16xf32>
        %mul3A_290 = arith.constant 8 : i32
        %mul3A_291 = arith.muli %scan3A_142, %mul3A_290 : i32
        %add3A_292 = arith.constant 6 : i32
        %add3A_293 = arith.addi %mul3A_291, %add3A_292 : i32
        %get3A_294 = arith.index_cast %add3A_293 : i32 to index
        %get3A_295 = arith.constant 0 : index
        %get3A_296 = tpu.vector_load %arg6[%get3A_294, %get3A_295] {strides = array<i32>} : memref<200x64xf32, #tpu.memory_space<vmem>>, vector<1x16xf32>,
        %get3A_297 = vector.shape_cast %get3A_296 : vector<1x16xf32> to vector<16xf32>
        %add3A_298 = arith.addf %add3A_274, %get3A_297 : vector<16xf32>
        %get3A_299 = arith.index_cast %add3A_293 : i32 to index
        %get3A_300 = arith.constant 16 : index
        %get3A_301 = tpu.vector_load %arg6[%get3A_299, %get3A_300] {strides = array<i32>} : memref<200x64xf32, #tpu.memory_space<vmem>>, vector<1x16xf32>,
        %get3A_302 = vector.shape_cast %get3A_301 : vector<1x16xf32> to vector<16xf32>
        %add3A_303 = arith.addf %add3A_279, %get3A_302 : vector<16xf32>
        %get3A_304 = arith.index_cast %add3A_293 : i32 to index
        %get3A_305 = arith.constant 32 : index
        %get3A_306 = tpu.vector_load %arg6[%get3A_304, %get3A_305] {strides = array<i32>} : memref<200x64xf32, #tpu.memory_space<vmem>>, vector<1x16xf32>,
        %get3A_307 = vector.shape_cast %get3A_306 : vector<1x16xf32> to vector<16xf32>
        %add3A_308 = arith.addf %add3A_284, %get3A_307 : vector<16xf32>
        %get3A_309 = arith.index_cast %add3A_293 : i32 to index
        %get3A_310 = arith.constant 48 : index
        %get3A_311 = tpu.vector_load %arg6[%get3A_309, %get3A_310] {strides = array<i32>} : memref<200x64xf32, #tpu.memory_space<vmem>>, vector<1x16xf32>,
        %get3A_312 = vector.shape_cast %get3A_311 : vector<1x16xf32> to vector<16xf32>
        %add3A_313 = arith.addf %add3A_289, %get3A_312 : vector<16xf32>
        %mul3A_314 = arith.constant 8 : i32
        %mul3A_315 = arith.muli %scan3A_142, %mul3A_314 : i32
        %add3A_316 = arith.constant 7 : i32
        %add3A_317 = arith.addi %mul3A_315, %add3A_316 : i32
        %get3A_318 = arith.index_cast %add3A_317 : i32 to index
        %get3A_319 = arith.constant 0 : index
        %get3A_320 = tpu.vector_load %arg6[%get3A_318, %get3A_319] {strides = array<i32>} : memref<200x64xf32, #tpu.memory_space<vmem>>, vector<1x16xf32>,
        %get3A_321 = vector.shape_cast %get3A_320 : vector<1x16xf32> to vector<16xf32>
        %add3A_322 = arith.addf %add3A_298, %get3A_321 : vector<16xf32>
        %get3A_323 = arith.index_cast %add3A_317 : i32 to index
        %get3A_324 = arith.constant 16 : index
        %get3A_325 = tpu.vector_load %arg6[%get3A_323, %get3A_324] {strides = array<i32>} : memref<200x64xf32, #tpu.memory_space<vmem>>, vector<1x16xf32>,
        %get3A_326 = vector.shape_cast %get3A_325 : vector<1x16xf32> to vector<16xf32>
        %add3A_327 = arith.addf %add3A_303, %get3A_326 : vector<16xf32>
        %get3A_328 = arith.index_cast %add3A_317 : i32 to index
        %get3A_329 = arith.constant 32 : index
        %get3A_330 = tpu.vector_load %arg6[%get3A_328, %get3A_329] {strides = array<i32>} : memref<200x64xf32, #tpu.memory_space<vmem>>, vector<1x16xf32>,
        %get3A_331 = vector.shape_cast %get3A_330 : vector<1x16xf32> to vector<16xf32>
        %add3A_332 = arith.addf %add3A_308, %get3A_331 : vector<16xf32>
        %get3A_333 = arith.index_cast %add3A_317 : i32 to index
        %get3A_334 = arith.constant 48 : index
        %get3A_335 = tpu.vector_load %arg6[%get3A_333, %get3A_334] {strides = array<i32>} : memref<200x64xf32, #tpu.memory_space<vmem>>, vector<1x16xf32>,
        %get3A_336 = vector.shape_cast %get3A_335 : vector<1x16xf32> to vector<16xf32>
        %add3A_337 = arith.addf %add3A_313, %get3A_336 : vector<16xf32>
        scf.yield %add3A_322, %add3A_327, %add3A_332, %add3A_337 : vector<16xf32>, vector<16xf32>, vector<16xf32>, vector<16xf32>
      }
      %scan3A_63 = arith.constant 25 : i32
      %swap3A = arith.index_cast %add3A_31 : i32 to index
      %swap3A_64 = arith.constant 0 : index
      %swap3A_65 = tpu.vector_load %arg8[%swap3A, %swap3A_64] {strides = array<i32>} : memref<128x64xf32, #tpu.memory_space<vmem>>, vector<1x16xf32>,
      %swap3A_66 = vector.shape_cast %swap3A_65 : vector<1x16xf32> to vector<16xf32>
      %swap3A_67 = vector.shape_cast %scan3A_62#0 : vector<16xf32> to vector<1x16xf32>
      tpu.vector_store %arg8[%swap3A, %swap3A_64], %swap3A_67 {strides = array<i32>} : memref<128x64xf32, #tpu.memory_space<vmem>>, vector<1x16xf32>,
      %swap3A_68 = arith.index_cast %add3A_31 : i32 to index
      %swap3A_69 = arith.constant 16 : index
      %swap3A_70 = tpu.vector_load %arg8[%swap3A_68, %swap3A_69] {strides = array<i32>} : memref<128x64xf32, #tpu.memory_space<vmem>>, vector<1x16xf32>,
      %swap3A_71 = vector.shape_cast %swap3A_70 : vector<1x16xf32> to vector<16xf32>
      %swap3A_72 = vector.shape_cast %scan3A_62#1 : vector<16xf32> to vector<1x16xf32>
      tpu.vector_store %arg8[%swap3A_68, %swap3A_69], %swap3A_72 {strides = array<i32>} : memref<128x64xf32, #tpu.memory_space<vmem>>, vector<1x16xf32>,
      %swap3A_73 = arith.index_cast %add3A_31 : i32 to index
      %swap3A_74 = arith.constant 32 : index
      %swap3A_75 = tpu.vector_load %arg8[%swap3A_73, %swap3A_74] {strides = array<i32>} : memref<128x64xf32, #tpu.memory_space<vmem>>, vector<1x16xf32>,
      %swap3A_76 = vector.shape_cast %swap3A_75 : vector<1x16xf32> to vector<16xf32>
      %swap3A_77 = vector.shape_cast %scan3A_62#2 : vector<16xf32> to vector<1x16xf32>
      tpu.vector_store %arg8[%swap3A_73, %swap3A_74], %swap3A_77 {strides = array<i32>} : memref<128x64xf32, #tpu.memory_space<vmem>>, vector<1x16xf32>,
      %swap3A_78 = arith.index_cast %add3A_31 : i32 to index
      %swap3A_79 = arith.constant 48 : index
      %swap3A_80 = tpu.vector_load %arg8[%swap3A_78, %swap3A_79] {strides = array<i32>} : memref<128x64xf32, #tpu.memory_space<vmem>>, vector<1x16xf32>,
      %swap3A_81 = vector.shape_cast %swap3A_80 : vector<1x16xf32> to vector<16xf32>
      %swap3A_82 = vector.shape_cast %scan3A_62#3 : vector<16xf32> to vector<1x16xf32>
      tpu.vector_store %arg8[%swap3A_78, %swap3A_79], %swap3A_82 {strides = array<i32>} : memref<128x64xf32, #tpu.memory_space<vmem>>, vector<1x16xf32>,
      %add3A_83 = arith.constant 1 : i32
      %add3A_84 = arith.addi %add3A_29, %add3A_83 : i32
      %add3A_85 = arith.constant 1 : i32
      %add3A_86 = arith.addi %add3A_84, %add3A_85 : i32
      %lt3A_87 = arith.constant 128 : i32
      %lt3A_88 = arith.cmpi slt, %add3A_86, %lt3A_87 : i32
      %convert_element_type3A_89 = arith.extui %lt3A_88 : i1 to i32
      %cond3A_90 = arith.constant 0 : i32
      %cond3A_91 = arith.cmpi ne, %convert_element_type3A_89, %cond3A_90 : i32
      scf.if %cond3A_91 {
        %add3A_142 = arith.constant 1 : i32
        %add3A_143 = arith.addi %add3A_84, %add3A_142 : i32
        %mul3A_144 = arith.constant 200 : i32
        %mul3A_145 = arith.muli %add3A_143, %mul3A_144 : i32
        %multiple_of3A_146 = tpu.assume_multiple %mul3A_145, 8 : i32
        %dma_start3A_147 = arith.constant 0 : i32
        %dma_start3A_148 = arith.constant 0 : i32
        %dma_start3A_149 = tpu.memref_slice %arg6[%dma_start3A_147, %dma_start3A_148] : memref<200x64xf32, #tpu.memory_space<vmem>> -> memref<128x64xf32, #tpu.memory_space<vmem>>
        %dma_start3A_150 = tpu.memref_slice %arg5[%multiple_of3A_146] : memref<25600xi32, #tpu.memory_space<vmem>> -> memref<128xi32, #tpu.memory_space<vmem>>
        %dma_start3A_151 = arith.constant 0 : i32
        %dma_start3A_152 = arith.constant 0 : i32
        %dma_start3A_153 = tpu.memref_slice %arg3[%dma_start3A_151, %dma_start3A_152] : memref<1000000x64xf32, #tpu.memory_space<hbm>> -> memref<1000000x64xf32, #tpu.memory_space<hbm>>
        tpu.enqueue_indirect_dma source(%dma_start3A_153 : memref<1000000x64xf32, #tpu.memory_space<hbm>>) target(%dma_start3A_149 : memref<128x64xf32, #tpu.memory_space<vmem>>) offsets(%dma_start3A_150 : memref<128xi32, #tpu.memory_space<vmem>>) semaphore(%arg9 : memref<!tpu.dma_semaphore, #tpu.memory_space<semaphore_mem>>)
        %add3A_154 = arith.constant 128 : i32
        %add3A_155 = arith.addi %multiple_of3A_146, %add3A_154 : i32
        %dma_start3A_156 = arith.constant 128 : i32
        %dma_start3A_157 = arith.constant 0 : i32
        %dma_start3A_158 = tpu.memref_slice %arg6[%dma_start3A_156, %dma_start3A_157] : memref<200x64xf32, #tpu.memory_space<vmem>> -> memref<72x64xf32, #tpu.memory_space<vmem>>
        %dma_start3A_159 = tpu.memref_slice %arg5[%add3A_155] : memref<25600xi32, #tpu.memory_space<vmem>> -> memref<72xi32, #tpu.memory_space<vmem>>
        %dma_start3A_160 = arith.constant 0 : i32
        %dma_start3A_161 = arith.constant 0 : i32
        %dma_start3A_162 = tpu.memref_slice %arg3[%dma_start3A_160, %dma_start3A_161] : memref<1000000x64xf32, #tpu.memory_space<hbm>> -> memref<1000000x64xf32, #tpu.memory_space<hbm>>
        tpu.enqueue_indirect_dma source(%dma_start3A_162 : memref<1000000x64xf32, #tpu.memory_space<hbm>>) target(%dma_start3A_158 : memref<72x64xf32, #tpu.memory_space<vmem>>) offsets(%dma_start3A_159 : memref<72xi32, #tpu.memory_space<vmem>>) semaphore(%arg9 : memref<!tpu.dma_semaphore, #tpu.memory_space<semaphore_mem>>)
      } else {
      }
      %dma_wait3A_92 = arith.constant 0 : i32
      %dma_wait3A_93 = arith.constant 0 : i32
      %dma_wait3A_94 = tpu.memref_slice %arg7[%dma_wait3A_92, %dma_wait3A_93] : memref<200x64xf32, #tpu.memory_space<vmem>> -> memref<128x64xf32, #tpu.memory_space<vmem>>
      %dma_wait3A_95 = arith.constant 0 : i32
      %dma_wait3A_96 = tpu.memref_slice %arg5[%dma_wait3A_95] : memref<25600xi32, #tpu.memory_space<vmem>> -> memref<128xi32, #tpu.memory_space<vmem>>
      %dma_wait3A_97 = arith.constant 0 : i32
      %dma_wait3A_98 = arith.constant 0 : i32
      %dma_wait3A_99 = tpu.memref_slice %arg3[%dma_wait3A_97, %dma_wait3A_98] : memref<1000000x64xf32, #tpu.memory_space<hbm>> -> memref<1000000x64xf32, #tpu.memory_space<hbm>>
      tpu.wait_indirect_dma semaphore(%arg10 : memref<!tpu.dma_semaphore, #tpu.memory_space<semaphore_mem>>) src(%dma_wait3A_99 : memref<1000000x64xf32, #tpu.memory_space<hbm>>) dst(%dma_wait3A_94 : memref<128x64xf32, #tpu.memory_space<vmem>>)
      %dma_wait3A_100 = arith.constant 128 : i32
      %dma_wait3A_101 = arith.constant 0 : i32
      %dma_wait3A_102 = tpu.memref_slice %arg7[%dma_wait3A_100, %dma_wait3A_101] : memref<200x64xf32, #tpu.memory_space<vmem>> -> memref<72x64xf32, #tpu.memory_space<vmem>>
      %dma_wait3A_103 = arith.constant 0 : i32
      %dma_wait3A_104 = tpu.memref_slice %arg5[%dma_wait3A_103] : memref<25600xi32, #tpu.memory_space<vmem>> -> memref<72xi32, #tpu.memory_space<vmem>>
      %dma_wait3A_105 = arith.constant 0 : i32
      %dma_wait3A_106 = arith.constant 0 : i32
      %dma_wait3A_107 = tpu.memref_slice %arg3[%dma_wait3A_105, %dma_wait3A_106] : memref<1000000x64xf32, #tpu.memory_space<hbm>> -> memref<1000000x64xf32, #tpu.memory_space<hbm>>
      tpu.wait_indirect_dma semaphore(%arg10 : memref<!tpu.dma_semaphore, #tpu.memory_space<semaphore_mem>>) src(%dma_wait3A_107 : memref<1000000x64xf32, #tpu.memory_space<hbm>>) dst(%dma_wait3A_102 : memref<72x64xf32, #tpu.memory_space<vmem>>)
      %broadcast_in_dim3A_108 = arith.constant 0.000000e+00 : f32
      %broadcast_in_dim3A_109 = vector.broadcast %broadcast_in_dim3A_108 : f32 to vector<16xf32>
      %broadcast_in_dim3A_110 = arith.constant 0.000000e+00 : f32
      %broadcast_in_dim3A_111 = vector.broadcast %broadcast_in_dim3A_110 : f32 to vector<16xf32>
      %broadcast_in_dim3A_112 = arith.constant 0.000000e+00 : f32
      %broadcast_in_dim3A_113 = vector.broadcast %broadcast_in_dim3A_112 : f32 to vector<16xf32>
      %broadcast_in_dim3A_114 = arith.constant 0.000000e+00 : f32
      %broadcast_in_dim3A_115 = vector.broadcast %broadcast_in_dim3A_114 : f32 to vector<16xf32>
      %scan3A_116 = arith.constant 0 : i32
      %scan3A_117 = arith.constant 25 : i32
      %scan3A_118 = arith.addi %scan3A_116, %scan3A_117 : i32
      %scan3A_119 = arith.constant 1 : i32
      %scan3A_120:4 = scf.for %scan3A_142 = %scan3A_116 to %scan3A_118 step %scan3A_119 iter_args(%scan3A_143 = %broadcast_in_dim3A_109, %scan3A_144 = %broadcast_in_dim3A_111, %scan3A_145 = %broadcast_in_dim3A_113, %scan3A_146 = %broadcast_in_dim3A_115) -> (vector<16xf32>, vector<16xf32>, vector<16xf32>, vector<16xf32>)  : i32 {
        %mul3A_147 = arith.constant 8 : i32
        %mul3A_148 = arith.muli %scan3A_142, %mul3A_147 : i32
        %add3A_149 = arith.constant 0 : i32
        %add3A_150 = arith.addi %mul3A_148, %add3A_149 : i32
        %get3A = arith.index_cast %add3A_150 : i32 to index
        %get3A_151 = arith.constant 0 : index
        %get3A_152 = tpu.vector_load %arg7[%get3A, %get3A_151] {strides = array<i32>} : memref<200x64xf32, #tpu.memory_space<vmem>>, vector<1x16xf32>,
        %get3A_153 = vector.shape_cast %get3A_152 : vector<1x16xf32> to vector<16xf32>
        %add3A_154 = arith.addf %scan3A_143, %get3A_153 : vector<16xf32>
        %get3A_155 = arith.index_cast %add3A_150 : i32 to index
        %get3A_156 = arith.constant 16 : index
        %get3A_157 = tpu.vector_load %arg7[%get3A_155, %get3A_156] {strides = array<i32>} : memref<200x64xf32, #tpu.memory_space<vmem>>, vector<1x16xf32>,
        %get3A_158 = vector.shape_cast %get3A_157 : vector<1x16xf32> to vector<16xf32>
        %add3A_159 = arith.addf %scan3A_144, %get3A_158 : vector<16xf32>
        %get3A_160 = arith.index_cast %add3A_150 : i32 to index
        %get3A_161 = arith.constant 32 : index
        %get3A_162 = tpu.vector_load %arg7[%get3A_160, %get3A_161] {strides = array<i32>} : memref<200x64xf32, #tpu.memory_space<vmem>>, vector<1x16xf32>,
        %get3A_163 = vector.shape_cast %get3A_162 : vector<1x16xf32> to vector<16xf32>
        %add3A_164 = arith.addf %scan3A_145, %get3A_163 : vector<16xf32>
        %get3A_165 = arith.index_cast %add3A_150 : i32 to index
        %get3A_166 = arith.constant 48 : index
        %get3A_167 = tpu.vector_load %arg7[%get3A_165, %get3A_166] {strides = array<i32>} : memref<200x64xf32, #tpu.memory_space<vmem>>, vector<1x16xf32>,
        %get3A_168 = vector.shape_cast %get3A_167 : vector<1x16xf32> to vector<16xf32>
        %add3A_169 = arith.addf %scan3A_146, %get3A_168 : vector<16xf32>
        %mul3A_170 = arith.constant 8 : i32
        %mul3A_171 = arith.muli %scan3A_142, %mul3A_170 : i32
        %add3A_172 = arith.constant 1 : i32
        %add3A_173 = arith.addi %mul3A_171, %add3A_172 : i32
        %get3A_174 = arith.index_cast %add3A_173 : i32 to index
        %get3A_175 = arith.constant 0 : index
        %get3A_176 = tpu.vector_load %arg7[%get3A_174, %get3A_175] {strides = array<i32>} : memref<200x64xf32, #tpu.memory_space<vmem>>, vector<1x16xf32>,
        %get3A_177 = vector.shape_cast %get3A_176 : vector<1x16xf32> to vector<16xf32>
        %add3A_178 = arith.addf %add3A_154, %get3A_177 : vector<16xf32>
        %get3A_179 = arith.index_cast %add3A_173 : i32 to index
        %get3A_180 = arith.constant 16 : index
        %get3A_181 = tpu.vector_load %arg7[%get3A_179, %get3A_180] {strides = array<i32>} : memref<200x64xf32, #tpu.memory_space<vmem>>, vector<1x16xf32>,
        %get3A_182 = vector.shape_cast %get3A_181 : vector<1x16xf32> to vector<16xf32>
        %add3A_183 = arith.addf %add3A_159, %get3A_182 : vector<16xf32>
        %get3A_184 = arith.index_cast %add3A_173 : i32 to index
        %get3A_185 = arith.constant 32 : index
        %get3A_186 = tpu.vector_load %arg7[%get3A_184, %get3A_185] {strides = array<i32>} : memref<200x64xf32, #tpu.memory_space<vmem>>, vector<1x16xf32>,
        %get3A_187 = vector.shape_cast %get3A_186 : vector<1x16xf32> to vector<16xf32>
        %add3A_188 = arith.addf %add3A_164, %get3A_187 : vector<16xf32>
        %get3A_189 = arith.index_cast %add3A_173 : i32 to index
        %get3A_190 = arith.constant 48 : index
        %get3A_191 = tpu.vector_load %arg7[%get3A_189, %get3A_190] {strides = array<i32>} : memref<200x64xf32, #tpu.memory_space<vmem>>, vector<1x16xf32>,
        %get3A_192 = vector.shape_cast %get3A_191 : vector<1x16xf32> to vector<16xf32>
        %add3A_193 = arith.addf %add3A_169, %get3A_192 : vector<16xf32>
        %mul3A_194 = arith.constant 8 : i32
        %mul3A_195 = arith.muli %scan3A_142, %mul3A_194 : i32
        %add3A_196 = arith.constant 2 : i32
        %add3A_197 = arith.addi %mul3A_195, %add3A_196 : i32
        %get3A_198 = arith.index_cast %add3A_197 : i32 to index
        %get3A_199 = arith.constant 0 : index
        %get3A_200 = tpu.vector_load %arg7[%get3A_198, %get3A_199] {strides = array<i32>} : memref<200x64xf32, #tpu.memory_space<vmem>>, vector<1x16xf32>,
        %get3A_201 = vector.shape_cast %get3A_200 : vector<1x16xf32> to vector<16xf32>
        %add3A_202 = arith.addf %add3A_178, %get3A_201 : vector<16xf32>
        %get3A_203 = arith.index_cast %add3A_197 : i32 to index
        %get3A_204 = arith.constant 16 : index
        %get3A_205 = tpu.vector_load %arg7[%get3A_203, %get3A_204] {strides = array<i32>} : memref<200x64xf32, #tpu.memory_space<vmem>>, vector<1x16xf32>,
        %get3A_206 = vector.shape_cast %get3A_205 : vector<1x16xf32> to vector<16xf32>
        %add3A_207 = arith.addf %add3A_183, %get3A_206 : vector<16xf32>
        %get3A_208 = arith.index_cast %add3A_197 : i32 to index
        %get3A_209 = arith.constant 32 : index
        %get3A_210 = tpu.vector_load %arg7[%get3A_208, %get3A_209] {strides = array<i32>} : memref<200x64xf32, #tpu.memory_space<vmem>>, vector<1x16xf32>,
        %get3A_211 = vector.shape_cast %get3A_210 : vector<1x16xf32> to vector<16xf32>
        %add3A_212 = arith.addf %add3A_188, %get3A_211 : vector<16xf32>
        %get3A_213 = arith.index_cast %add3A_197 : i32 to index
        %get3A_214 = arith.constant 48 : index
        %get3A_215 = tpu.vector_load %arg7[%get3A_213, %get3A_214] {strides = array<i32>} : memref<200x64xf32, #tpu.memory_space<vmem>>, vector<1x16xf32>,
        %get3A_216 = vector.shape_cast %get3A_215 : vector<1x16xf32> to vector<16xf32>
        %add3A_217 = arith.addf %add3A_193, %get3A_216 : vector<16xf32>
        %mul3A_218 = arith.constant 8 : i32
        %mul3A_219 = arith.muli %scan3A_142, %mul3A_218 : i32
        %add3A_220 = arith.constant 3 : i32
        %add3A_221 = arith.addi %mul3A_219, %add3A_220 : i32
        %get3A_222 = arith.index_cast %add3A_221 : i32 to index
        %get3A_223 = arith.constant 0 : index
        %get3A_224 = tpu.vector_load %arg7[%get3A_222, %get3A_223] {strides = array<i32>} : memref<200x64xf32, #tpu.memory_space<vmem>>, vector<1x16xf32>,
        %get3A_225 = vector.shape_cast %get3A_224 : vector<1x16xf32> to vector<16xf32>
        %add3A_226 = arith.addf %add3A_202, %get3A_225 : vector<16xf32>
        %get3A_227 = arith.index_cast %add3A_221 : i32 to index
        %get3A_228 = arith.constant 16 : index
        %get3A_229 = tpu.vector_load %arg7[%get3A_227, %get3A_228] {strides = array<i32>} : memref<200x64xf32, #tpu.memory_space<vmem>>, vector<1x16xf32>,
        %get3A_230 = vector.shape_cast %get3A_229 : vector<1x16xf32> to vector<16xf32>
        %add3A_231 = arith.addf %add3A_207, %get3A_230 : vector<16xf32>
        %get3A_232 = arith.index_cast %add3A_221 : i32 to index
        %get3A_233 = arith.constant 32 : index
        %get3A_234 = tpu.vector_load %arg7[%get3A_232, %get3A_233] {strides = array<i32>} : memref<200x64xf32, #tpu.memory_space<vmem>>, vector<1x16xf32>,
        %get3A_235 = vector.shape_cast %get3A_234 : vector<1x16xf32> to vector<16xf32>
        %add3A_236 = arith.addf %add3A_212, %get3A_235 : vector<16xf32>
        %get3A_237 = arith.index_cast %add3A_221 : i32 to index
        %get3A_238 = arith.constant 48 : index
        %get3A_239 = tpu.vector_load %arg7[%get3A_237, %get3A_238] {strides = array<i32>} : memref<200x64xf32, #tpu.memory_space<vmem>>, vector<1x16xf32>,
        %get3A_240 = vector.shape_cast %get3A_239 : vector<1x16xf32> to vector<16xf32>
        %add3A_241 = arith.addf %add3A_217, %get3A_240 : vector<16xf32>
        %mul3A_242 = arith.constant 8 : i32
        %mul3A_243 = arith.muli %scan3A_142, %mul3A_242 : i32
        %add3A_244 = arith.constant 4 : i32
        %add3A_245 = arith.addi %mul3A_243, %add3A_244 : i32
        %get3A_246 = arith.index_cast %add3A_245 : i32 to index
        %get3A_247 = arith.constant 0 : index
        %get3A_248 = tpu.vector_load %arg7[%get3A_246, %get3A_247] {strides = array<i32>} : memref<200x64xf32, #tpu.memory_space<vmem>>, vector<1x16xf32>,
        %get3A_249 = vector.shape_cast %get3A_248 : vector<1x16xf32> to vector<16xf32>
        %add3A_250 = arith.addf %add3A_226, %get3A_249 : vector<16xf32>
        %get3A_251 = arith.index_cast %add3A_245 : i32 to index
        %get3A_252 = arith.constant 16 : index
        %get3A_253 = tpu.vector_load %arg7[%get3A_251, %get3A_252] {strides = array<i32>} : memref<200x64xf32, #tpu.memory_space<vmem>>, vector<1x16xf32>,
        %get3A_254 = vector.shape_cast %get3A_253 : vector<1x16xf32> to vector<16xf32>
        %add3A_255 = arith.addf %add3A_231, %get3A_254 : vector<16xf32>
        %get3A_256 = arith.index_cast %add3A_245 : i32 to index
        %get3A_257 = arith.constant 32 : index
        %get3A_258 = tpu.vector_load %arg7[%get3A_256, %get3A_257] {strides = array<i32>} : memref<200x64xf32, #tpu.memory_space<vmem>>, vector<1x16xf32>,
        %get3A_259 = vector.shape_cast %get3A_258 : vector<1x16xf32> to vector<16xf32>
        %add3A_260 = arith.addf %add3A_236, %get3A_259 : vector<16xf32>
        %get3A_261 = arith.index_cast %add3A_245 : i32 to index
        %get3A_262 = arith.constant 48 : index
        %get3A_263 = tpu.vector_load %arg7[%get3A_261, %get3A_262] {strides = array<i32>} : memref<200x64xf32, #tpu.memory_space<vmem>>, vector<1x16xf32>,
        %get3A_264 = vector.shape_cast %get3A_263 : vector<1x16xf32> to vector<16xf32>
        %add3A_265 = arith.addf %add3A_241, %get3A_264 : vector<16xf32>
        %mul3A_266 = arith.constant 8 : i32
        %mul3A_267 = arith.muli %scan3A_142, %mul3A_266 : i32
        %add3A_268 = arith.constant 5 : i32
        %add3A_269 = arith.addi %mul3A_267, %add3A_268 : i32
        %get3A_270 = arith.index_cast %add3A_269 : i32 to index
        %get3A_271 = arith.constant 0 : index
        %get3A_272 = tpu.vector_load %arg7[%get3A_270, %get3A_271] {strides = array<i32>} : memref<200x64xf32, #tpu.memory_space<vmem>>, vector<1x16xf32>,
        %get3A_273 = vector.shape_cast %get3A_272 : vector<1x16xf32> to vector<16xf32>
        %add3A_274 = arith.addf %add3A_250, %get3A_273 : vector<16xf32>
        %get3A_275 = arith.index_cast %add3A_269 : i32 to index
        %get3A_276 = arith.constant 16 : index
        %get3A_277 = tpu.vector_load %arg7[%get3A_275, %get3A_276] {strides = array<i32>} : memref<200x64xf32, #tpu.memory_space<vmem>>, vector<1x16xf32>,
        %get3A_278 = vector.shape_cast %get3A_277 : vector<1x16xf32> to vector<16xf32>
        %add3A_279 = arith.addf %add3A_255, %get3A_278 : vector<16xf32>
        %get3A_280 = arith.index_cast %add3A_269 : i32 to index
        %get3A_281 = arith.constant 32 : index
        %get3A_282 = tpu.vector_load %arg7[%get3A_280, %get3A_281] {strides = array<i32>} : memref<200x64xf32, #tpu.memory_space<vmem>>, vector<1x16xf32>,
        %get3A_283 = vector.shape_cast %get3A_282 : vector<1x16xf32> to vector<16xf32>
        %add3A_284 = arith.addf %add3A_260, %get3A_283 : vector<16xf32>
        %get3A_285 = arith.index_cast %add3A_269 : i32 to index
        %get3A_286 = arith.constant 48 : index
        %get3A_287 = tpu.vector_load %arg7[%get3A_285, %get3A_286] {strides = array<i32>} : memref<200x64xf32, #tpu.memory_space<vmem>>, vector<1x16xf32>,
        %get3A_288 = vector.shape_cast %get3A_287 : vector<1x16xf32> to vector<16xf32>
        %add3A_289 = arith.addf %add3A_265, %get3A_288 : vector<16xf32>
        %mul3A_290 = arith.constant 8 : i32
        %mul3A_291 = arith.muli %scan3A_142, %mul3A_290 : i32
        %add3A_292 = arith.constant 6 : i32
        %add3A_293 = arith.addi %mul3A_291, %add3A_292 : i32
        %get3A_294 = arith.index_cast %add3A_293 : i32 to index
        %get3A_295 = arith.constant 0 : index
        %get3A_296 = tpu.vector_load %arg7[%get3A_294, %get3A_295] {strides = array<i32>} : memref<200x64xf32, #tpu.memory_space<vmem>>, vector<1x16xf32>,
        %get3A_297 = vector.shape_cast %get3A_296 : vector<1x16xf32> to vector<16xf32>
        %add3A_298 = arith.addf %add3A_274, %get3A_297 : vector<16xf32>
        %get3A_299 = arith.index_cast %add3A_293 : i32 to index
        %get3A_300 = arith.constant 16 : index
        %get3A_301 = tpu.vector_load %arg7[%get3A_299, %get3A_300] {strides = array<i32>} : memref<200x64xf32, #tpu.memory_space<vmem>>, vector<1x16xf32>,
        %get3A_302 = vector.shape_cast %get3A_301 : vector<1x16xf32> to vector<16xf32>
        %add3A_303 = arith.addf %add3A_279, %get3A_302 : vector<16xf32>
        %get3A_304 = arith.index_cast %add3A_293 : i32 to index
        %get3A_305 = arith.constant 32 : index
        %get3A_306 = tpu.vector_load %arg7[%get3A_304, %get3A_305] {strides = array<i32>} : memref<200x64xf32, #tpu.memory_space<vmem>>, vector<1x16xf32>,
        %get3A_307 = vector.shape_cast %get3A_306 : vector<1x16xf32> to vector<16xf32>
        %add3A_308 = arith.addf %add3A_284, %get3A_307 : vector<16xf32>
        %get3A_309 = arith.index_cast %add3A_293 : i32 to index
        %get3A_310 = arith.constant 48 : index
        %get3A_311 = tpu.vector_load %arg7[%get3A_309, %get3A_310] {strides = array<i32>} : memref<200x64xf32, #tpu.memory_space<vmem>>, vector<1x16xf32>,
        %get3A_312 = vector.shape_cast %get3A_311 : vector<1x16xf32> to vector<16xf32>
        %add3A_313 = arith.addf %add3A_289, %get3A_312 : vector<16xf32>
        %mul3A_314 = arith.constant 8 : i32
        %mul3A_315 = arith.muli %scan3A_142, %mul3A_314 : i32
        %add3A_316 = arith.constant 7 : i32
        %add3A_317 = arith.addi %mul3A_315, %add3A_316 : i32
        %get3A_318 = arith.index_cast %add3A_317 : i32 to index
        %get3A_319 = arith.constant 0 : index
        %get3A_320 = tpu.vector_load %arg7[%get3A_318, %get3A_319] {strides = array<i32>} : memref<200x64xf32, #tpu.memory_space<vmem>>, vector<1x16xf32>,
        %get3A_321 = vector.shape_cast %get3A_320 : vector<1x16xf32> to vector<16xf32>
        %add3A_322 = arith.addf %add3A_298, %get3A_321 : vector<16xf32>
        %get3A_323 = arith.index_cast %add3A_317 : i32 to index
        %get3A_324 = arith.constant 16 : index
        %get3A_325 = tpu.vector_load %arg7[%get3A_323, %get3A_324] {strides = array<i32>} : memref<200x64xf32, #tpu.memory_space<vmem>>, vector<1x16xf32>,
        %get3A_326 = vector.shape_cast %get3A_325 : vector<1x16xf32> to vector<16xf32>
        %add3A_327 = arith.addf %add3A_303, %get3A_326 : vector<16xf32>
        %get3A_328 = arith.index_cast %add3A_317 : i32 to index
        %get3A_329 = arith.constant 32 : index
        %get3A_330 = tpu.vector_load %arg7[%get3A_328, %get3A_329] {strides = array<i32>} : memref<200x64xf32, #tpu.memory_space<vmem>>, vector<1x16xf32>,
        %get3A_331 = vector.shape_cast %get3A_330 : vector<1x16xf32> to vector<16xf32>
        %add3A_332 = arith.addf %add3A_308, %get3A_331 : vector<16xf32>
        %get3A_333 = arith.index_cast %add3A_317 : i32 to index
        %get3A_334 = arith.constant 48 : index
        %get3A_335 = tpu.vector_load %arg7[%get3A_333, %get3A_334] {strides = array<i32>} : memref<200x64xf32, #tpu.memory_space<vmem>>, vector<1x16xf32>,
        %get3A_336 = vector.shape_cast %get3A_335 : vector<1x16xf32> to vector<16xf32>
        %add3A_337 = arith.addf %add3A_313, %get3A_336 : vector<16xf32>
        scf.yield %add3A_322, %add3A_327, %add3A_332, %add3A_337 : vector<16xf32>, vector<16xf32>, vector<16xf32>, vector<16xf32>
      }
      %scan3A_121 = arith.constant 25 : i32
      %swap3A_122 = arith.index_cast %add3A_84 : i32 to index
      %swap3A_123 = arith.constant 0 : index
      %swap3A_124 = tpu.vector_load %arg8[%swap3A_122, %swap3A_123] {strides = array<i32>} : memref<128x64xf32, #tpu.memory_space<vmem>>, vector<1x16xf32>,
      %swap3A_125 = vector.shape_cast %swap3A_124 : vector<1x16xf32> to vector<16xf32>
      %swap3A_126 = vector.shape_cast %scan3A_120#0 : vector<16xf32> to vector<1x16xf32>
      tpu.vector_store %arg8[%swap3A_122, %swap3A_123], %swap3A_126 {strides = array<i32>} : memref<128x64xf32, #tpu.memory_space<vmem>>, vector<1x16xf32>,
      %swap3A_127 = arith.index_cast %add3A_84 : i32 to index
      %swap3A_128 = arith.constant 16 : index
      %swap3A_129 = tpu.vector_load %arg8[%swap3A_127, %swap3A_128] {strides = array<i32>} : memref<128x64xf32, #tpu.memory_space<vmem>>, vector<1x16xf32>,
      %swap3A_130 = vector.shape_cast %swap3A_129 : vector<1x16xf32> to vector<16xf32>
      %swap3A_131 = vector.shape_cast %scan3A_120#1 : vector<16xf32> to vector<1x16xf32>
      tpu.vector_store %arg8[%swap3A_127, %swap3A_128], %swap3A_131 {strides = array<i32>} : memref<128x64xf32, #tpu.memory_space<vmem>>, vector<1x16xf32>,
      %swap3A_132 = arith.index_cast %add3A_84 : i32 to index
      %swap3A_133 = arith.constant 32 : index
      %swap3A_134 = tpu.vector_load %arg8[%swap3A_132, %swap3A_133] {strides = array<i32>} : memref<128x64xf32, #tpu.memory_space<vmem>>, vector<1x16xf32>,
      %swap3A_135 = vector.shape_cast %swap3A_134 : vector<1x16xf32> to vector<16xf32>
      %swap3A_136 = vector.shape_cast %scan3A_120#2 : vector<16xf32> to vector<1x16xf32>
      tpu.vector_store %arg8[%swap3A_132, %swap3A_133], %swap3A_136 {strides = array<i32>} : memref<128x64xf32, #tpu.memory_space<vmem>>, vector<1x16xf32>,
      %swap3A_137 = arith.index_cast %add3A_84 : i32 to index
      %swap3A_138 = arith.constant 48 : index
      %swap3A_139 = tpu.vector_load %arg8[%swap3A_137, %swap3A_138] {strides = array<i32>} : memref<128x64xf32, #tpu.memory_space<vmem>>, vector<1x16xf32>,
      %swap3A_140 = vector.shape_cast %swap3A_139 : vector<1x16xf32> to vector<16xf32>
      %swap3A_141 = vector.shape_cast %scan3A_120#3 : vector<16xf32> to vector<1x16xf32>
      tpu.vector_store %arg8[%swap3A_137, %swap3A_138], %swap3A_141 {strides = array<i32>} : memref<128x64xf32, #tpu.memory_space<vmem>>, vector<1x16xf32>,
    }
    %scan3A_24 = arith.constant 64 : i32
    "tpu.region"() ({
      %run_scoped3A = tpu.sem_alloc : memref<!tpu.dma_semaphore, #tpu.memory_space<semaphore_mem>>
      %dma_start3A_25 = arith.constant 0 : i32
      %dma_start3A_26 = tpu.memref_slice %arg4[%mul3A_2, %dma_start3A_25] : memref<4096x64xf32, #tpu.memory_space<hbm>> -> memref<128x64xf32, #tpu.memory_space<hbm>>
      %dma_start3A_27 = arith.constant 0 : i32
      %dma_start3A_28 = tpu.memref_slice %arg4[%mul3A_2, %dma_start3A_27] : memref<4096x64xf32, #tpu.memory_space<hbm>> -> memref<128x64xf32, #tpu.memory_space<hbm>>
      tpu.enqueue_dma source(%arg8 : memref<128x64xf32, #tpu.memory_space<vmem>>) target(%dma_start3A_28 : memref<128x64xf32, #tpu.memory_space<hbm>>) target_semaphore(%run_scoped3A : memref<!tpu.dma_semaphore, #tpu.memory_space<semaphore_mem>>)
      %dma_wait3A = arith.constant 0 : i32
      %dma_wait3A_29 = tpu.memref_slice %arg4[%mul3A_2, %dma_wait3A] : memref<4096x64xf32, #tpu.memory_space<hbm>> -> memref<128x64xf32, #tpu.memory_space<hbm>>
      %dma_wait3A_30 = arith.constant 0 : i32
      %dma_wait3A_31 = tpu.memref_slice %arg4[%mul3A_2, %dma_wait3A_30] : memref<4096x64xf32, #tpu.memory_space<hbm>> -> memref<128x64xf32, #tpu.memory_space<hbm>>
      tpu.wait_dma2 semaphore(%run_scoped3A : memref<!tpu.dma_semaphore, #tpu.memory_space<semaphore_mem>>) src(%arg8 : memref<128x64xf32, #tpu.memory_space<vmem>>) dst(%dma_wait3A_31 : memref<128x64xf32, #tpu.memory_space<hbm>>)
      tpu.yield
    }) : () -> ()
    return
  }
}

module attributes {stable_mosaic.version = 14 : i64} {
  func.func @_linear_body(%arg0: memref<4096x64xf32, #tpu.memory_space<vmem>>, %arg1: memref<100x64xf32, #tpu.memory_space<vmem>>, %arg2: memref<1x100xf32, #tpu.memory_space<vmem>>, %arg3: memref<4096x100xf32, #tpu.memory_space<vmem>>) attributes {dimension_semantics = [], scalar_prefetch = 0 : i64, scratch_operands = 0 : i64, tpu.core_type = #tpu.core_type<tc>} {
    %get3A = arith.constant 0 : index
    %get3A_0 = arith.constant 0 : index
    %get3A_1 = vector.load %arg0[%get3A, %get3A_0] : memref<4096x64xf32, #tpu.memory_space<vmem>>, vector<4096x64xf32>
    %get3A_2 = arith.constant 0 : index
    %get3A_3 = arith.constant 0 : index
    %get3A_4 = vector.load %arg1[%get3A_2, %get3A_3] : memref<100x64xf32, #tpu.memory_space<vmem>>, vector<100x64xf32>
    %dot_general3A = arith.constant dense<0.000000e+00> : vector<4096x100xf32>
    %dot_general3A_5 = tpu.matmul %get3A_1, %get3A_4, %dot_general3A {dimension_numbers = #tpu.dot_dimension_numbers<[1], [1], [0], [0], [0, 0, 1, 0], [], []>, transpose_lhs_hint = false} : vector<4096x64xf32>, vector<100x64xf32>, vector<4096x100xf32> -> vector<4096x100xf32>
    %mul3A = arith.constant 5.000000e-03 : f32
    %mul3A_6 = vector.broadcast %mul3A : f32 to vector<4096x100xf32>
    %mul3A_7 = arith.mulf %dot_general3A_5, %mul3A_6 : vector<4096x100xf32>
    %get3A_8 = arith.constant 0 : index
    %get3A_9 = arith.constant 0 : index
    %get3A_10 = vector.load %arg2[%get3A_8, %get3A_9] : memref<1x100xf32, #tpu.memory_space<vmem>>, vector<1x100xf32>
    %add3A = vector.broadcast %get3A_10 : vector<1x100xf32> to vector<4096x100xf32>
    %add3A_11 = arith.addf %mul3A_7, %add3A : vector<4096x100xf32>
    %swap3A = arith.constant 0 : index
    %swap3A_12 = arith.constant 0 : index
    %swap3A_13 = vector.load %arg3[%swap3A, %swap3A_12] : memref<4096x100xf32, #tpu.memory_space<vmem>>, vector<4096x100xf32>
    tpu.vector_store %arg3[%swap3A, %swap3A_12], %add3A_11 {strides = array<i32>} : memref<4096x100xf32, #tpu.memory_space<vmem>>, vector<4096x100xf32>,
    return
  }
}

</mosaic_0001>

<sc_bundles>
// kernel: embbag_sums.3.cloned.1.call-start
scs
__scs_entry_jumppad:
0x0: {  	(pc) =	sbr.rel $0x88, $3  }
0x1: {  	(tag) =	ssettag $0x0;
	lr =	simm.s32 $0x1  }
0x2: {  	[smem:$0x3F9D] =	sst lr;
	_ =	strace $0xD0000000  }
0x3: {  	_ = 	snop  }
0x4: {  	_ = 	snop  }
0x5: {  	_ = 	snop  }
0x6: {  	_ = 	snop  }
0x7: {  	_ = 	snop  }
__scs_overlays_trampoline_lowered:
0x8: {  	[smem:$0x3FAC] =	sst s0  }
0x9: {  	[smem:$0x3FAD] =	sst s1  }
0xa: {  	[smem:$0x3FAE] =	sst s2  }
0xb: {  	[smem:$0x3FAF] =	sst s3  }
0xc: {  	[smem:$0x3FB0] =	sst s4  }
0xd: {  	[smem:$0x3FB1] =	sst s5  }
0xe: {  	[smem:$0x3FB2] =	sst s6  }
0xf: {  	[smem:$0x3FB3] =	sst s7  }
0x10: {  	[smem:$0x3FB4] =	sst s8  }
0x11: {  	[smem:$0x3FB5] =	sst s9;
	s0 =	simm.s32 @!p0 $0x0  }
0x12: {  	s1 =	sld [smem:$0x3F9B];
	s0 =	simm.s32 @p0 $0x1  }
0x13: {  	[smem:$0x3FB6] =	sst s0;
	s0 =	simm.s32 @!p1 $0x0  }
0x14: {  	s2 =	sld [smem:$0x3F9A];
	s0 =	simm.s32 @p1 $0x1  }
0x15: {  	[smem:$0x3FB7] =	sst s0;
	s0 =	simm.s32 @!p2 $0x0  }
0x16: {  	s3 =	sld [smem:$0x3FDB];
	s0 =	simm.s32 @p2 $0x1  }
0x17: {  	s4 =	simm.s32 $0x1BF5;
	[smem:$0x3FB9] =	sst s0  }
0x18: {  	s0 =	sld [smem:$0x3F9C];
	_ =	swait.ge [sflag:s4], $0x0  }
0x19: {  	s7 =	sld [smem:$0x3F9D]  }
0x1a: {  	s8 =	sadd.s32 $0xFFFFE003, lr  }
0x1b: {  	s9 =	sadd.s32 $0xFFFFFEF7, lr;
	s5 =	simm.s32 $0xFFFFFFFF;
	p2 =	slt.u32 s8, $0xFFFFF086  }
0x1c: {  	p1 =	slt.u32 s9, $0xF7A;
	s5 =	simm.s32 @!p2 $0x0  }
0x1d: {  	s5 =	simm.s32 @p1 $0x1;
	p0 =	seq.s32 s7, s2  }
0x1e: {  	s7 =	smul.u32 @!p0 $0xF7A, s2;
	p2 =	seq.s32 @!p0 s5, $0x0  }
0x1f: {  	s9 =	smul.u32 $0xF7A, s1;
	s8 =	simm.s32 @!p0 $0x1BF5;
	p2 =	por !p2, p0  }
0x20: {  	[sflag:s8] =	ssyncset.s32 @!p0 $0xFFFFF086;
	s6 =	sadd.s32 @!p0 s3, s7;
	s7 =	simm.s32 @!p0 $0x108  }
0x21: {  	s3 =	sadd.s32 s3, s9;
	s6 =	sadd.s32 @!p0 $0x88, s6;
	s7 =	simm.s32 @p2 $0x1082  }
0x22: {  	[simem:s7], [sflag:s8] =	dma.local @!p0 [hbm:s6], $0xF7A  }
0x23: {  	s9 =	sor.u32 $0xD0000000, s2;
	s6 =	simm.s32 $0x108;
	_ =	swait.ge @!p0 [sflag:s8], $0x0  }
0x24: {  	s3 =	sadd.s32 $0x88, s3;
	s6 =	simm.s32 @!p1 $0x1082;
	[sflag:s4] =	ssyncset.s32 $0xFFFFF086  }
0x25: {  	[simem:s6], [sflag:s4] =	dma.local [hbm:s3], $0xF7A  }
0x26: {  	[smem:$0x3F9D] =	sst s1;
	(tag) =	ssettag s2;
	_ =	strace s9  }
0x27: {  	s1 =	sld [smem:$0x3FAD]  }
0x28: {  	s2 =	sld [smem:$0x3FAE]  }
0x29: {  	s4 =	sld [smem:$0x3FB0]  }
0x2a: {  	p0 =	seq.s32 s5, $0x0;
	s5 =	sld [smem:$0x3FB1]  }
0x2b: {  	s6 =	sld [smem:$0x3FB2]  }
0x2c: {  	s7 =	sld [smem:$0x3FB3]  }
0x2d: {  	s3 =	simm.s32 $0x108;
	s8 =	sld [smem:$0x3FB4]  }
0x2e: {  	s3 =	simm.s32 @!p0 $0x1082;
	s9 =	sld [smem:$0x3FB5]  }
0x2f: {  	lr =	sadd.s32 s0, s3;
	s0 =	sld [smem:$0x3FAC]  }
0x30: {  	s3 =	sld [smem:$0x3FAF]  }
0x31: {  	[smem:$0x3FB8] =	sst s10  }
0x32: {  	s10 =	sld [smem:$0x3FB6];
	_ =	sdelay $0x3  }
0x33: {  	p0 =	seq.s32 s10, $0x1;
	s10 =	sld [smem:$0x3FB8];
	_ =	sdelay $0x3  }
0x34: {  	[smem:$0x3FB8] =	sst s10  }
0x35: {  	s10 =	sld [smem:$0x3FB7];
	_ =	sdelay $0x3  }
0x36: {  	p1 =	seq.s32 s10, $0x1;
	s10 =	sld [smem:$0x3FB8];
	_ =	sdelay $0x3  }
0x37: {  	[smem:$0x3FB8] =	sst s10  }
0x38: {  	s10 =	sld [smem:$0x3FB9]  }
0x39: {  	_ = 	snop;
	(pc) =	sbr.ind lr, $3  }
0x3a: {  	_ = 	snop  }
0x3b: {  	_ = 	snop  }
0x3c: {  	p2 =	seq.s32 s10, $0x1;
	s10 =	sld [smem:$0x3FB8]  }
0x3d: {  	_ =	shalt  }
0x3e: {  	_ =	shalt  }
0x3f: {  	_ =	shalt  }
0x40: {  	_ =	shalt  }
0x41: {  	_ =	shalt  }
0x42: {  	_ =	shalt  }
0x43: {  	_ =	shalt  }
0x44: {  	_ =	shalt  }
0x45: {  	_ =	shalt  }
0x46: {  	_ =	shalt  }
0x47: {  	_ =	shalt  }
0x48: {  	_ =	shalt  }
0x49: {  	_ =	shalt  }
0x4a: {  	_ =	shalt  }
0x4b: {  	_ =	shalt  }
0x4c: {  	_ =	shalt  }
0x4d: {  	_ =	shalt  }
0x4e: {  	_ =	shalt  }
0x4f: {  	_ =	shalt  }
0x50: {  	_ =	shalt  }
0x51: {  	_ =	shalt  }
0x52: {  	_ =	shalt  }
0x53: {  	_ =	shalt  }
0x54: {  	_ =	shalt  }
0x55: {  	_ =	shalt  }
0x56: {  	_ =	shalt  }
0x57: {  	_ =	shalt  }
0x58: {  	_ =	shalt  }
0x59: {  	_ =	shalt  }
0x5a: {  	_ =	shalt  }
0x5b: {  	_ =	shalt  }
0x5c: {  	_ =	shalt  }
0x5d: {  	_ =	shalt  }
0x5e: {  	_ =	shalt  }
0x5f: {  	_ =	shalt  }
0x60: {  	_ =	shalt  }
0x61: {  	_ =	shalt  }
0x62: {  	_ =	shalt  }
0x63: {  	_ =	shalt  }
0x64: {  	_ =	shalt  }
0x65: {  	_ =	shalt  }
0x66: {  	_ =	shalt  }
0x67: {  	_ =	shalt  }
0x68: {  	_ =	shalt  }
0x69: {  	_ =	shalt  }
0x6a: {  	_ =	shalt  }
0x6b: {  	_ =	shalt  }
0x6c: {  	_ =	shalt  }
0x6d: {  	_ =	shalt  }
0x6e: {  	_ =	shalt  }
0x6f: {  	_ =	shalt  }
0x70: {  	_ =	shalt  }
0x71: {  	_ =	shalt  }
0x72: {  	_ =	shalt  }
0x73: {  	_ =	shalt  }
0x74: {  	_ =	shalt  }
0x75: {  	_ =	shalt  }
0x76: {  	_ =	shalt  }
0x77: {  	_ =	shalt  }
0x78: {  	_ =	shalt  }
0x79: {  	_ =	shalt  }
0x7a: {  	_ =	shalt  }
0x7b: {  	_ =	shalt  }
0x7c: {  	_ =	shalt  }
0x7d: {  	_ =	shalt  }
0x7e: {  	_ =	shalt  }
0x7f: {  	_ =	shalt  }
0x80: {  	_ =	shalt  }
0x81: {  	_ =	shalt  }
0x82: {  	_ =	shalt  }
0x83: {  	_ =	shalt  }
0x84: {  	_ =	shalt  }
0x85: {  	_ =	shalt  }
0x86: {  	_ =	shalt  }
0x87: {  	_ =	shalt  }
.Lfunc_end0:
.L_simem_size_0:
called_computation_lowered:
.L_overlay_start_0:
0x88: {  	s2 =	sld [smem:$0x3FD9]  }
0x89: {  	s3 =	sld [smem:$0x3FFE];
	_ =	sdelay $0x1  }
0x8a: {  	s1 =	srdreg.scid  }
0x8b: {  	s0 =	sand.u32 $0x1, s1  }
0x8c: {  	s17 =	sshll.u32 s0, $0xA;
	s2 =	sadd.s32 s3, s2  }
0x8d: {  	s2 =	sadd.s32 s2, s17  }
0x8e: {  	[smem:$0x3FC4] =	sst s2  }
0x8f: {  	_ = 	snop  }
0x90: {  	s2 =	sld [smem:$0x3FD0];
	(tm) =	ssettm $0x1  }
0x91: {  	s18 =	sld [smem:$0x3FFB];
	_ =	sdelay $0x3  }
0x92: {  	_ =	strace s18  }
0x93: {  	s3 =	sld [smem:$0x3FFC];
	_ =	sdelay $0x3  }
0x94: {  	_ =	strace s3  }
0x95: {  	s3 =	sld [smem:$0x3FFD];
	_ =	sdelay $0x3  }
0x96: {  	_ =	strace s3  }
0x97: {  	_ =	strace $0x8FFFFFFF  }
0x98: {  	s19 =	sld [smem:$0x3FDB];
	_ =	sdelay $0x1  }
0x99: {  	s4 =	simm.s32 $_scs_section_size  }
0x9a: {  	s5 =	simm.s32 $_size__tile_overlayer_lowered;
	s6 =	simm.s32 $_tile_overlayer_lowered  }
0x9b: {  	s22 =	simm.s32 $0x1BFF;
	s21 =	sshll.u32 s6, $0x1;
	s3 =	sadd.s32 s4, s19  }
0x9c: {  	s7 =	simm.s32 $0x0;
	s20 =	sshll.u32 s5, $0x1;
	s5 =	sadd.s32 s21, s3  }
0x9d: {  	[timem:s7], [sflag:s22] =	dma.local [hbm:s5], s20  }
0x9e: {  	_ =	swait.ge [sflag:s22], s20  }
0x9f: {  	s4 =	ssub.s32 $0x0, s20;
	[sflag:s22] =	ssyncset.done $0x0  }
0xa0: {  	[sflag:s22] =	ssyncadd.s32 s4;
	_ =	sdelay $0x1  }
0xa1: {  	s23 =	simm.s32 $0x1B8B  }
0xa2: {  	_ =	swait.ge [sflag:s23], $0x1  }
0xa3: {  	[sflag:s23] =	ssyncset.done $0x0  }
0xa4: {  	s25 =	simm.s32 $0x1B8E;
	s24 =	sld [smem:$0x3FFE];
	[sflag:s23] =	ssyncadd.s32 $0xFFFFFFFF  }
0xa5: {  	s26 =	simm.s32 $execute0_lowered;
	[smem:$0x3FD2] =	sst s25  }
0xa6: {  	s5 =	sshll.u32 s26, $0x1;
	_ =	strace $0x80000046;
	[dreg:$0x1] =	wrdreg $0xFFFFFFFF  }
0xa7: {  	s28 =	simm.s32 $_size_execute0_lowered;
	s3 =	sadd.s32 s3, s5;
	[dreg:$0x0] =	wrdreg $0x0  }
0xa8: {  	s5 =	sshll.u32 s28, $0x1;
	[dreg:$0x2] =	wrdreg s3  }
0xa9: {  	[dreg:$0x3] =	wrdreg s5  }
0xaa: {  	[dreg:$0x4] =	wrdreg $0xC0  }
0xab: {  	_ =	task [dreg:s7], $0x5FFFF  }
0xac: {  	[dreg:$0x1] =	wrdreg $0xFFFFFFFF  }
0xad: {  	[dreg:$0x0] =	wrdreg $0x60  }
0xae: {  	[dreg:$0x2] =	wrdreg s24  }
0xaf: {  	[dreg:$0x3] =	wrdreg s2  }
0xb0: {  	[dreg:$0x4] =	wrdreg $0x9  }
0xb1: {  	_ =	task.clear_ibuf [dreg:s7], $0x5FFFF;
	_ =	strace $0x90000046  }
0xb2: {  	s29 =	simm.s32 $0x9;
	_ =	strace $0x80000048  }
0xb3: {  	_ =	swait.ge [sflag:s29], $0x1  }
0xb4: {  	[sflag:s29] =	ssyncadd.s32 $0xFFFFFFFF  }
0xb5: {  	_ =	strace $0x90000048  }
0xb6: {  	_ =	sfence  }
0xb7: {  	s30 =	sld [smem:$0x0];
	_ =	sdelay $0x2  }
0xb8: {  	s31 =	sshll.u32 s1, $0xD;
	s1 =	sshrl.u32 s1, $0x2  }
0xb9: {  	s3 =	sand.u32 $0x4000, s31;
	s1 =	sadd.s32 s1, s30  }
0xba: {  	s0 =	sor.u32 s3, s0;
	s1 =	sshll.u32 s1, $0x11  }
0xbb: {  	s0 =	sor.u32 s1, s0  }
0xbc: {  	s0 =	sadd.s32 $0x8F2B, s0  }
0xbd: {  	[sflag:s0] =	ssyncadd.remote.s32 $0x1  }
0xbe: {  	_ =	sfence.sel $0xFFFF  }
0xbf: {  	[dreg:$0x0] =	wrdreg $0xFFFFFFFF;
	(pc) =	sbr.abs _section_cstart, $3  }
0xc0: {  	[dreg:$0x1] =	wrdreg $0xFFFFFFFF  }
0xc1: {  	_ =	task.clear_ibuf [dreg:s7], $0x2FFFF;
	_ =	strace $0x9FFFFFFF  }
0xc2: {  	(tm) =	ssettm $0x7FFFFFFF  }
0xc3: {  	_ =	shalt  }
tec
execute0_lowered:
.L_overlay_start_1:
0x0: {  	(tag) =	ssettag $0x1  }
0x1: {  	s1 =	srdreg.scid;
	s3 =	rddreg [dreg:$0x0]  }
0x2: {  	s0 =	stileid.u32;
	s5 =	rddreg [dreg:$0x1];
	s2 =	simm.s32 $0x0  }
0x3: {  	s9 =	simm.s32 $0x6400;
	s10 =	simm.s32 $0x48;
	s11 =	simm.s32 $0x8400  }
0x4: {  	s12 =	simm.s32 $0x9600;
	s13 =	simm.s32 $0xB600;
	s14 =	simm.s32 $0x1  }
0x5: {  	s15 =	simm.s32 $0x2;
	s16 =	simm.s32 $0xC800;
	s17 =	simm.s32 $0x0  }
0x6: {  	s4 =	sand.u32 $0x1, s1;
	s31 =	sshll.u32 s0, $0x1;
	s1 =	rddreg [dreg:$0x2]  }
0x7: {  	[smem:$0x7FF] =	sst s2;
	s6 =	sor.u32 s4, s31;
	s4 =	ssub.s32 $0x2, s4  }
0x8: {  	s7 =	smul.u32 $0xC80, s6;
	s8 =	sshrl.u32 s4, $0x1;
	s6 =	sshll.u32 s6, $0xA  }
0x9: {  	_ =	strace $0x80000047;
	s8 =	ssub.s32 s4, s8;
	s5 =	sadd.s32 s5, s6  }
0xa: {  	s7 =	sadd.s32 s7, s3;
	s3 =	sadd.s32 $0xF42E00, s3;
	s6 =	smax.u32 s8, $0x1  }
0xb: {  	s8 =	simm.s32 $0x80;
	s4 =	sadd.s32 $0xA00, s7;
	s7 =	simm.s32 $0x3  }
.LBB2_1:
0xc: {  	[tilespmem:s2], [sflag:$0x3] =	stream.linear.gather [hbm4b:s4+s2], $0x6400, $0x38;
	[tilespmem:$0xE800] =	vst v63  }
0xd: {  	_ =	swait.ge [sflag:s7], $0x6400  }
0xe: {  	[sflag:s7] =	ssyncset.done $0x0  }
0xf: {  	[sflag:s7] =	ssyncadd.s32 $0xFFFF9C00  }
0x10: {  	[tilespmem:s9], [sflag:$0x1] =	stream.indirect.gather [hbm4b:s3+s8], $0x40, s2, s8, $0xb8;
	[tilespmem:$0xE800] =	vst v63  }
0x11: {  	s18 =	simm.s32 $0x0  }
0x12: {  	[tilespmem:s11], [sflag:$0x1] =	stream.indirect.gather [hbm4b:s3+s10], $0x40, s8, s10, $0xb8;
	[tilespmem:$0xE800] =	vst v63  }
.LBB2_2:
0x13: {  	s19 =	sshllo.u32 s18, $0x1  }
0x14: {  	s20 =	smul.u32 $0x320, s19;
	_ =	sdelay $0x1  }
0x15: {  	s20 =	sshra.s32 s20, $0x2  }
0x16: {  	[tilespmem:s12], [sflag:$0x2] =	stream.indirect.gather [hbm4b:s3+s8], $0x40, s20, s8, $0xb8;
	[tilespmem:$0xE800] =	vst v63  }
0x17: {  	s20 =	sadd.s32 $0x80, s20  }
0x18: {  	[tilespmem:s13], [sflag:$0x2] =	stream.indirect.gather [hbm4b:s3+s10], $0x40, s20, s10, $0xb8;
	[tilespmem:$0xE800] =	vst v63  }
0x19: {  	_ =	swait.ge [sflag:s14], $0x2000  }
0x1a: {  	[sflag:s14] =	ssyncset.done $0x0  }
0x1b: {  	[sflag:s14] =	ssyncadd.s32 $0xFFFFE000  }
0x1c: {  	_ =	swait.ge [sflag:s14], $0x1200  }
0x1d: {  	[sflag:s14] =	ssyncset.done $0x0  }
0x1e: {  	s20 =	simm.s32 $0x0;
	[sflag:s14] =	ssyncadd.s32 $0xFFFFEE00  }
0x1f: {  	v0 =	vld [tilespmem:s20+$0x65C0]  }
0x20: {  	v1 =	vld [tilespmem:s20+$0x65D0]  }
0x21: {  	v2 =	vld [tilespmem:s20+$0x6580]  }
0x22: {  	v3 =	vld [tilespmem:s20+$0x6590]  }
0x23: {  	v4 =	vld [tilespmem:s20+$0x6540]  }
0x24: {  	v5 =	vld [tilespmem:s20+$0x6550]  }
0x25: {  	v6 =	vld [tilespmem:s20+$0x6500]  }
0x26: {  	v7 =	vld [tilespmem:s20+$0x6510]  }
0x27: {  	v9 =	vld [tilespmem:s20+$0x64C0]  }
0x28: {  	v8 =	vld [tilespmem:s20+$0x64D0]  }
0x29: {  	v11 =	vld [tilespmem:s20+$0x6480]  }
0x2a: {  	v10 =	vld [tilespmem:s20+$0x6490]  }
0x2b: {  	v17 =	vld [tilespmem:s20+$0x6440]  }
0x2c: {  	v16 =	vld [tilespmem:s20+$0x6450]  }
0x2d: {  	v19 =	vld [tilespmem:s20+$0x6400]  }
0x2e: {  	v12 =	vimm.f32 $0.0e+00;
	v20 =	vld [tilespmem:s20+$0x6410]  }
0x2f: {  	s21 =	simm.s32 $0x800;
	v15 =	vimm.f32 $0.0e+00;
	v14 =	vimm.f32 $0.0e+00;
	v13 =	vimm.f32 $0.0e+00;
	v18 =	vld [tilespmem:s20+$0x6420]  }
.LBB2_3:
0x30: {  	p0 =	sne.s32 s21, $0xC000;
	v21 =	vld [tilespmem:s20+$0x6430]  }
0x31: {  	v22 =	vld [tilespmem:s20+$0x6460]  }
0x32: {  	v23 =	vld [tilespmem:s20+$0x6470]  }
0x33: {  	v24 =	vld [tilespmem:s20+$0x64A0]  }
0x34: {  	v12 =	vadd.f32 v19, v12;
	v15 =	vadd.f32 v20, v15;
	v19 =	vld [tilespmem:s20+$0x64B0]  }
0x35: {  	v14 =	vadd.f32 v18, v14;
	v13 =	vadd.f32 v21, v13;
	v18 =	vld [tilespmem:s20+$0x64E0]  }
0x36: {  	v12 =	vadd.f32 v17, v12;
	v15 =	vadd.f32 v16, v15;
	v16 =	vld [tilespmem:s20+$0x64F0]  }
0x37: {  	v14 =	vadd.f32 v22, v14;
	v13 =	vadd.f32 v23, v13;
	v17 =	vld [tilespmem:s20+$0x6520]  }
0x38: {  	v11 =	vadd.f32 v11, v12;
	v10 =	vadd.f32 v10, v15;
	v12 =	vld [tilespmem:s20+$0x6530]  }
0x39: {  	v14 =	vadd.f32 v24, v14;
	v13 =	vadd.f32 v19, v13;
	v15 =	vld [tilespmem:s20+$0x6560]  }
0x3a: {  	v9 =	vadd.f32 v9, v11;
	v8 =	vadd.f32 v8, v10;
	v10 =	vld [tilespmem:s20+$0x6570]  }
0x3b: {  	v11 =	vadd.f32 v18, v14;
	v13 =	vadd.f32 v16, v13;
	v14 =	vld [tilespmem:s20+$0x65A0]  }
0x3c: {  	v6 =	vadd.f32 v6, v9;
	v7 =	vadd.f32 v7, v8;
	v8 =	vld [tilespmem:s20+$0x65B0]  }
0x3d: {  	v9 =	vadd.f32 v17, v11;
	v11 =	vadd.f32 v12, v13;
	v13 =	vld [tilespmem:s20+$0x65E0]  }
0x3e: {  	v4 =	vadd.f32 v4, v6;
	v5 =	vadd.f32 v5, v7;
	v6 =	vld [tilespmem:s20+$0x65F0];
	s20 =	sshra.s32 s21, $0x2  }
0x3f: {  	v9 =	vadd.f32 v15, v9;
	v7 =	vld [tilespmem:s20+$0x65C0];
	v10 =	vadd.f32 v10, v11  }
0x40: {  	v4 =	vadd.f32 v2, v4;
	v5 =	vadd.f32 v3, v5;
	v11 =	vld [tilespmem:s20+$0x65D0]  }
0x41: {  	v9 =	vadd.f32 v14, v9;
	v2 =	vld [tilespmem:s20+$0x6580];
	v8 =	vadd.f32 v8, v10  }
0x42: {  	v12 =	vadd.f32 v0, v4;
	v15 =	vadd.f32 v1, v5;
	v3 =	vld [tilespmem:s20+$0x6590]  }
0x43: {  	v14 =	vadd.f32 v13, v9;
	v4 =	vld [tilespmem:s20+$0x6540];
	v13 =	vadd.f32 v6, v8  }
0x44: {  	v5 =	vld [tilespmem:s20+$0x6550];
	v0 =	vmov v7  }
0x45: {  	v6 =	vld [tilespmem:s20+$0x6500];
	v1 =	vmov v11  }
0x46: {  	v7 =	vld [tilespmem:s20+$0x6510]  }
0x47: {  	v9 =	vld [tilespmem:s20+$0x64C0]  }
0x48: {  	v8 =	vld [tilespmem:s20+$0x64D0]  }
0x49: {  	v11 =	vld [tilespmem:s20+$0x6480]  }
0x4a: {  	v10 =	vld [tilespmem:s20+$0x6490]  }
.Ltmp0:
0x4b: {  	v17 =	vld [tilespmem:s20+$0x6440];
	(pc) =	sbr.rel @p0 .LBB2_3-.Ltmp0, $4  }
0x4c: {  	v16 =	vld [tilespmem:s20+$0x6450]  }
0x4d: {  	v19 =	vld [tilespmem:s20+$0x6400]  }
0x4e: {  	v20 =	vld [tilespmem:s20+$0x6410]  }
0x4f: {  	s21 =	sadd.s32 $0x800, s21;
	v18 =	vld [tilespmem:s20+$0x6420]  }
0x50: {  	v21 =	vld [tilespmem:s20+$0x6430]  }
0x51: {  	v22 =	vld [tilespmem:s20+$0x6460]  }
0x52: {  	v23 =	vld [tilespmem:s20+$0x6470];
	v12 =	vadd.f32 v19, v12  }
0x53: {  	v19 =	vld [tilespmem:s20+$0x64A0];
	v15 =	vadd.f32 v20, v15  }
0x54: {  	v20 =	vld [tilespmem:s20+$0x64B0];
	v14 =	vadd.f32 v18, v14;
	v12 =	vadd.f32 v17, v12  }
0x55: {  	v17 =	vld [tilespmem:s20+$0x64E0];
	v13 =	vadd.f32 v21, v13;
	v15 =	vadd.f32 v16, v15  }
0x56: {  	v16 =	vld [tilespmem:s20+$0x64F0];
	v14 =	vadd.f32 v22, v14;
	v11 =	vadd.f32 v11, v12  }
0x57: {  	v12 =	vadd.f32 v23, v13;
	v13 =	vld [tilespmem:s20+$0x6520];
	v10 =	vadd.f32 v10, v15  }
0x58: {  	v15 =	vld [tilespmem:s20+$0x6530];
	v14 =	vadd.f32 v19, v14;
	v9 =	vadd.f32 v9, v11  }
0x59: {  	v11 =	vadd.f32 v20, v12;
	v12 =	vld [tilespmem:s20+$0x6560];
	v8 =	vadd.f32 v8, v10  }
0x5a: {  	v10 =	vld [tilespmem:s20+$0x6570];
	v14 =	vadd.f32 v17, v14;
	v6 =	vadd.f32 v6, v9  }
0x5b: {  	v9 =	vadd.f32 v16, v11;
	v11 =	vld [tilespmem:s20+$0x65A0];
	v7 =	vadd.f32 v7, v8  }
0x5c: {  	v8 =	vld [tilespmem:s20+$0x65B0];
	v13 =	vadd.f32 v13, v14;
	v4 =	vadd.f32 v4, v6  }
0x5d: {  	v6 =	vadd.f32 v15, v9;
	v9 =	vld [tilespmem:s20+$0x65E0];
	v5 =	vadd.f32 v5, v7  }
0x5e: {  	v7 =	vld [tilespmem:s20+$0x65F0];
	v12 =	vadd.f32 v12, v13;
	v2 =	vadd.f32 v2, v4  }
0x5f: {  	v4 =	vadd.f32 v10, v6;
	v3 =	vadd.f32 v3, v5  }
0x60: {  	s31 =	sshll.u32 s18, $0x7;
	v5 =	vadd.f32 v11, v12;
	v0 =	vadd.f32 v0, v2  }
0x61: {  	p0 =	seq.s32 s18, $0x3F;
	s20 =	sand.u32 $0x3FFFFF80, s31;
	v2 =	vadd.f32 v8, v4;
	v1 =	vadd.f32 v1, v3  }
0x62: {  	s21 =	smul.u32 @!p0 $0x640, s18;
	v3 =	vadd.f32 v9, v5;
	[tilespmem:s20+$0xC800] =	vst v0  }
0x63: {  	v0 =	vadd.f32 v7, v2;
	[tilespmem:s20+$0xC810] =	vst v1  }
0x64: {  	s21 =	sshra.s32 @!p0 s21, $0x2;
	[tilespmem:s20+$0xC820] =	vst v3  }
0x65: {  	s22 =	simm.s32 @!p0 $0x80;
	s23 =	simm.s32 @!p0 $0x6400;
	[tilespmem:s20+$0xC830] =	vst v0;
	s20 =	sadd.s32 @!p0 $0x190, s21  }
0x66: {  	[tilespmem:s23], [sflag:$0x1] =	stream.indirect.gather @!p0 [hbm4b:s3+s22], $0x40, s20, s22, $0xb8;
	[tilespmem:$0xE800] =	vst v63  }
0x67: {  	s20 =	sadd.s32 @!p0 $0x210, s21;
	s21 =	simm.s32 @!p0 $0x48;
	s22 =	simm.s32 @!p0 $0x8400  }
0x68: {  	[tilespmem:s22], [sflag:$0x1] =	stream.indirect.gather @!p0 [hbm4b:s3+s21], $0x40, s20, s21, $0xb8;
	[tilespmem:$0xE800] =	vst v63  }
0x69: {  	_ =	swait.ge [sflag:s15], $0x2000  }
0x6a: {  	[sflag:s15] =	ssyncset.done $0x0  }
0x6b: {  	[sflag:s15] =	ssyncadd.s32 $0xFFFFE000  }
0x6c: {  	_ =	swait.ge [sflag:s15], $0x1200  }
0x6d: {  	[sflag:s15] =	ssyncset.done $0x0  }
0x6e: {  	s20 =	simm.s32 $0x0;
	[sflag:s15] =	ssyncadd.s32 $0xFFFFEE00  }
0x6f: {  	v0 =	vld [tilespmem:s20+$0x97C0]  }
0x70: {  	v1 =	vld [tilespmem:s20+$0x97D0]  }
0x71: {  	v2 =	vld [tilespmem:s20+$0x9780]  }
0x72: {  	v3 =	vld [tilespmem:s20+$0x9790]  }
0x73: {  	v4 =	vld [tilespmem:s20+$0x9740]  }
0x74: {  	v5 =	vld [tilespmem:s20+$0x9750]  }
0x75: {  	v6 =	vld [tilespmem:s20+$0x9700]  }
0x76: {  	v7 =	vld [tilespmem:s20+$0x9710]  }
0x77: {  	v9 =	vld [tilespmem:s20+$0x96C0]  }
0x78: {  	v8 =	vld [tilespmem:s20+$0x96D0]  }
0x79: {  	v11 =	vld [tilespmem:s20+$0x9680]  }
0x7a: {  	v10 =	vld [tilespmem:s20+$0x9690]  }
0x7b: {  	v17 =	vld [tilespmem:s20+$0x9640]  }
0x7c: {  	v16 =	vld [tilespmem:s20+$0x9650]  }
0x7d: {  	v19 =	vld [tilespmem:s20+$0x9600]  }
0x7e: {  	v14 =	vimm.f32 $0.0e+00;
	v20 =	vld [tilespmem:s20+$0x9610]  }
0x7f: {  	v15 =	vimm.f32 $0.0e+00;
	v13 =	vimm.f32 $0.0e+00;
	v12 =	vimm.f32 $0.0e+00;
	s21 =	simm.s32 $0x800;
	v18 =	vld [tilespmem:s20+$0x9620]  }
.LBB2_5:
0x80: {  	p0 =	sne.s32 s21, $0xC000;
	v21 =	vld [tilespmem:s20+$0x9630]  }
0x81: {  	v22 =	vld [tilespmem:s20+$0x9660]  }
0x82: {  	v23 =	vld [tilespmem:s20+$0x9670]  }
0x83: {  	v24 =	vld [tilespmem:s20+$0x96A0]  }
0x84: {  	v12 =	vadd.f32 v19, v12;
	v15 =	vadd.f32 v20, v15;
	v19 =	vld [tilespmem:s20+$0x96B0]  }
0x85: {  	v14 =	vadd.f32 v18, v14;
	v13 =	vadd.f32 v21, v13;
	v18 =	vld [tilespmem:s20+$0x96E0]  }
0x86: {  	v12 =	vadd.f32 v17, v12;
	v15 =	vadd.f32 v16, v15;
	v16 =	vld [tilespmem:s20+$0x96F0]  }
0x87: {  	v14 =	vadd.f32 v22, v14;
	v13 =	vadd.f32 v23, v13;
	v17 =	vld [tilespmem:s20+$0x9720]  }
0x88: {  	v11 =	vadd.f32 v11, v12;
	v10 =	vadd.f32 v10, v15;
	v12 =	vld [tilespmem:s20+$0x9730]  }
0x89: {  	v14 =	vadd.f32 v24, v14;
	v13 =	vadd.f32 v19, v13;
	v15 =	vld [tilespmem:s20+$0x9760]  }
0x8a: {  	v9 =	vadd.f32 v9, v11;
	v8 =	vadd.f32 v8, v10;
	v10 =	vld [tilespmem:s20+$0x9770]  }
0x8b: {  	v11 =	vadd.f32 v18, v14;
	v13 =	vadd.f32 v16, v13;
	v14 =	vld [tilespmem:s20+$0x97A0]  }
0x8c: {  	v6 =	vadd.f32 v6, v9;
	v7 =	vadd.f32 v7, v8;
	v8 =	vld [tilespmem:s20+$0x97B0]  }
0x8d: {  	v9 =	vadd.f32 v17, v11;
	v11 =	vadd.f32 v12, v13;
	v13 =	vld [tilespmem:s20+$0x97E0]  }
0x8e: {  	v4 =	vadd.f32 v4, v6;
	v5 =	vadd.f32 v5, v7;
	v6 =	vld [tilespmem:s20+$0x97F0];
	s20 =	sshra.s32 s21, $0x2  }
0x8f: {  	v9 =	vadd.f32 v15, v9;
	v7 =	vld [tilespmem:s20+$0x97C0];
	v10 =	vadd.f32 v10, v11  }
0x90: {  	v4 =	vadd.f32 v2, v4;
	v5 =	vadd.f32 v3, v5;
	v11 =	vld [tilespmem:s20+$0x97D0]  }
0x91: {  	v9 =	vadd.f32 v14, v9;
	v2 =	vld [tilespmem:s20+$0x9780];
	v8 =	vadd.f32 v8, v10  }
0x92: {  	v12 =	vadd.f32 v0, v4;
	v15 =	vadd.f32 v1, v5;
	v3 =	vld [tilespmem:s20+$0x9790]  }
0x93: {  	v14 =	vadd.f32 v13, v9;
	v4 =	vld [tilespmem:s20+$0x9740];
	v13 =	vadd.f32 v6, v8  }
0x94: {  	v5 =	vld [tilespmem:s20+$0x9750];
	v0 =	vmov v7  }
0x95: {  	v6 =	vld [tilespmem:s20+$0x9700];
	v1 =	vmov v11  }
0x96: {  	v7 =	vld [tilespmem:s20+$0x9710]  }
0x97: {  	v9 =	vld [tilespmem:s20+$0x96C0]  }
0x98: {  	v8 =	vld [tilespmem:s20+$0x96D0]  }
0x99: {  	v11 =	vld [tilespmem:s20+$0x9680]  }
0x9a: {  	v10 =	vld [tilespmem:s20+$0x9690]  }
.Ltmp1:
0x9b: {  	v17 =	vld [tilespmem:s20+$0x9640];
	(pc) =	sbr.rel @p0 .LBB2_5-.Ltmp1, $4  }
0x9c: {  	v16 =	vld [tilespmem:s20+$0x9650]  }
0x9d: {  	v19 =	vld [tilespmem:s20+$0x9600]  }
0x9e: {  	v20 =	vld [tilespmem:s20+$0x9610]  }
0x9f: {  	s21 =	sadd.s32 $0x800, s21;
	v18 =	vld [tilespmem:s20+$0x9620]  }
0xa0: {  	v21 =	vld [tilespmem:s20+$0x9630]  }
0xa1: {  	v22 =	vld [tilespmem:s20+$0x9660]  }
0xa2: {  	v23 =	vld [tilespmem:s20+$0x9670];
	v12 =	vadd.f32 v19, v12  }
0xa3: {  	v43 =	vld [tilespmem:s20+$0x96A0];
	v15 =	vadd.f32 v20, v15  }
0xa4: {  	v44 =	vld [tilespmem:s20+$0x96B0];
	v14 =	vadd.f32 v18, v14;
	v12 =	vadd.f32 v17, v12  }
0xa5: {  	v45 =	vld [tilespmem:s20+$0x96E0];
	v13 =	vadd.f32 v21, v13;
	v15 =	vadd.f32 v16, v15  }
0xa6: {  	v46 =	vld [tilespmem:s20+$0x96F0];
	v14 =	vadd.f32 v22, v14;
	v11 =	vadd.f32 v11, v12  }
0xa7: {  	v48 =	vld [tilespmem:s20+$0x9720];
	v47 =	vadd.f32 v23, v13;
	v10 =	vadd.f32 v10, v15  }
0xa8: {  	v49 =	vld [tilespmem:s20+$0x9730];
	v14 =	vadd.f32 v43, v14;
	v9 =	vadd.f32 v9, v11  }
0xa9: {  	v51 =	vld [tilespmem:s20+$0x9760];
	v50 =	vadd.f32 v44, v47;
	v8 =	vadd.f32 v8, v10  }
0xaa: {  	v52 =	vld [tilespmem:s20+$0x9770];
	v14 =	vadd.f32 v45, v14;
	v6 =	vadd.f32 v6, v9  }
0xab: {  	v54 =	vld [tilespmem:s20+$0x97A0];
	v53 =	vadd.f32 v46, v50;
	v7 =	vadd.f32 v7, v8  }
0xac: {  	v55 =	vld [tilespmem:s20+$0x97B0];
	v13 =	vadd.f32 v48, v14;
	v4 =	vadd.f32 v4, v6  }
0xad: {  	v57 =	vld [tilespmem:s20+$0x97E0];
	v56 =	vadd.f32 v49, v53;
	v5 =	vadd.f32 v5, v7  }
0xae: {  	v58 =	vld [tilespmem:s20+$0x97F0];
	v12 =	vadd.f32 v51, v13;
	v2 =	vadd.f32 v2, v4  }
0xaf: {  	s18 =	sadd.s32 $0x1, s18;
	v59 =	vadd.f32 v52, v56;
	v3 =	vadd.f32 v3, v5  }
0xb0: {  	s19 =	sshll.u32 s19, $0x6;
	p0 =	sne.s32 s18, $0x40;
	v60 =	vadd.f32 v54, v12;
	v0 =	vadd.f32 v0, v2  }
.Ltmp2:
0xb1: {  	s19 =	sand.u32 $0x3FFFFFC0, s19;
	v61 =	vadd.f32 v55, v59;
	v1 =	vadd.f32 v1, v3;
	(pc) =	sbr.rel @p0 .LBB2_2-.Ltmp2, $4  }
0xb2: {  	v62 =	vadd.f32 v57, v60;
	[tilespmem:s19+$0xC800] =	vst v0  }
0xb3: {  	v63 =	vadd.f32 v58, v61;
	[tilespmem:s19+$0xC810] =	vst v1  }
0xb4: {  	[tilespmem:s19+$0xC820] =	vst v62  }
0xb5: {  	[tilespmem:s19+$0xC830] =	vst v63  }
0xb6: {  	s17 =	sadd.s32 $0x1, s17  }
0xb7: {  	p0 =	sne.s32 s17, s6  }
.Ltmp3:
0xb8: {  	_ = 	snop;
	(pc) =	sbr.rel @p0 .LBB2_1-.Ltmp3, $4  }
0xb9: {  	[hbm4b:s5+s2] =	stream.linear.scatter [tilespmem:s16], [sflag:$0x3], $0x2000, $0x38;
	[tilespmem:$0xE800] =	vst v63  }
0xba: {  	_ =	swait.ge [sflag:s7], $0x2000  }
0xbb: {  	[sflag:s7] =	ssyncset.done $0x0  }
0xbc: {  	[sflag:s7] =	ssyncadd.s32 $0xFFFFE000  }
0xbd: {  	_ =	sfence.sel $0x180000  }
0xbe: {  	[bflag:$0x0] =	sbarrier.arrive $0xFFFF  }
0xbf: {  	p0 =	sne.s32 s0, $0x0;
	_ =	strace $0x90000047  }
0xc0: {  	s0 =	sadd.s32 @!p0 $0x100000, s1;
	[bflag:$0x2] =	sbarrier.arrive $0xFFFF  }
0xc1: {  	[sflag:s0] =	ssyncadd.tile.s32 @!p0 $0x1;
	_ =	shalt  }
.Lfunc_end2:
_tile_overlayer_lowered:
.L_overlay_start_2:
0xc2: {  	(tag) =	ssettag $0x2  }
0xc3: {  	s0 =	rddreg [dreg:$0x0];
	s2 =	stileid.u32  }
0xc4: {  	s1 =	rddreg [dreg:$0x1];
	p0 =	sne.s32 s2, $0x0  }
0xc5: {  	s3 =	rddreg [dreg:$0x2];
	[bflag:$0x3] =	sbarrier.arrive $0xFFFF;
	s2 =	simm.s32 @!p0 $0x1C03  }
0xc6: {  	[timem:s3], [sflag:s2] =	dma.local @!p0 [hbm:s0], s1  }
0xc7: {  	s0 =	simm.s32 @!p0 $0x3  }
0xc8: {  	_ =	swait.ge @!p0 [sflag:s0], s1  }
0xc9: {  	s1 =	ssub.s32 @!p0 $0x0, s1;
	[sflag:s0] =	ssyncset.done @!p0 $0x0  }
0xca: {  	[sflag:s0] =	ssyncadd.s32 @!p0 s1  }
0xcb: {  	[bflag:$0x3] =	sbarrier.arrive $0xFFFF  }
0xcc: {  	_ =	shalt  }

</sc_bundles>
